<compile_context>
chip_gen: v7x
topology: tpu7x:2x2x1
jax: 0.10.2.dev20260603
libtpu: 0.0.44.dev20260713+nightly
codegen_flags: <defaults>
</compile_context>

<pallas_src>
import jax
import jax.numpy as jnp
from jax import lax
from jax.experimental import pallas as pl
from jax.experimental.pallas import tpu as pltpu
from jax.experimental.pallas import tpu_sc as plsc

N_NODES = 10000
D = 256
DH = 128
D_EDGE = 16
EPS = 1e-5

NC = 2
NS = 16
K = 128
NSTEP = 80
E_TILE = K * NSTEP
E_PAD = E_TILE * NS
N_EDGES = 160000
NSTEP_LAST = (N_EDGES - (NS - 1) * E_TILE) // K
S_ROWS = 10112
STRIPE = S_ROWS // NS
PACK = 16384


def _proj_body(nf_ref, w_ref, o_ref):
    o_ref[0] = jnp.dot(nf_ref[...], w_ref[0],
                       preferred_element_type=jnp.float32)


def _node_proj(node_feat, w1a_t_r):
    grid = 10
    blk = N_NODES // grid
    return pl.pallas_call(
        _proj_body,
        grid=(NC, grid),
        in_specs=[
            pl.BlockSpec((blk, D), lambda c, i: (i, 0)),
            pl.BlockSpec((1, D, DH), lambda c, i: (c, 0, 0)),
        ],
        out_specs=pl.BlockSpec((1, blk, DH), lambda c, i: (c, i, 0)),
        out_shape=jax.ShapeDtypeStruct((NC, N_NODES, DH), jnp.float32),
    )(node_feat, w1a_t_r)


def _eproj_body(ef_ref, w_ref, b_ref, o_ref):
    res = jnp.dot(ef_ref[...], w_ref[0], preferred_element_type=jnp.float32)
    o_ref[0] = res + b_ref[0]


def _edge_proj(edge_feat_p, w1b_t_r, b1_r):
    grid = 80
    blk = E_PAD // grid
    return pl.pallas_call(
        _eproj_body,
        grid=(NC, grid),
        in_specs=[
            pl.BlockSpec((blk, D_EDGE), lambda c, i: (i, 0)),
            pl.BlockSpec((1, D_EDGE, DH), lambda c, i: (c, 0, 0)),
            pl.BlockSpec((1, 1, DH), lambda c, i: (c, 0, 0)),
        ],
        out_specs=pl.BlockSpec((1, blk, DH), lambda c, i: (c, i, 0)),
        out_shape=jax.ShapeDtypeStruct((NC, E_PAD, DH), jnp.float32),
    )(edge_feat_p, w1b_t_r, b1_r)


def _sc_body(proj, eproj, packh, s_out, cnt_out,
             pack_v, srow, drow, grows, erows, ones_v, zc, semg, seme,
             sems, semc, acc, cnt_acc):
    cid = lax.axis_index("c")
    tid = lax.axis_index("s")

    pltpu.sync_copy(packh.at[tid], pack_v)

    zvec = jnp.zeros((16,), jnp.float32)
    ovec = jnp.ones((16,), jnp.float32)

    def zero_row(r, _):
        for v in range(DH // 16):
            grows[r, pl.ds(v * 16, 16)] = zvec
        return 0

    lax.fori_loop(0, K, zero_row, 0)

    def fill_ones(r, _):
        ones_v[pl.ds(r * 16, 16)] = ovec
        return 0

    lax.fori_loop(0, K // 16, fill_ones, 0)

    def zero_zc(r, _):
        zc[pl.ds(r * 16, 16)] = zvec
        return 0

    lax.fori_loop(0, STRIPE // 16, zero_zc, 0)

    r0 = pl.multiple_of(tid * STRIPE, 8)
    for m in range(STRIPE // K):
        pltpu.sync_copy(grows, acc.at[pl.ds(r0 + m * K, K)])
    rem = STRIPE % K
    if rem:
        pltpu.sync_copy(grows.at[pl.ds(0, rem)],
                        acc.at[pl.ds(r0 + (STRIPE // K) * K, rem)])
    pltpu.sync_copy(zc, cnt_acc.at[pl.ds(r0, STRIPE)])
    plsc.subcore_barrier()

    nsteps = jnp.where(tid == NS - 1, NSTEP_LAST, NSTEP)

    def step(j, _):
        def decode(v, _):
            sl = pl.ds(v * 16, 16)
            pk = pack_v[j, sl]
            srow[sl] = pk & (PACK - 1)
            drow[sl] = pk >> 14
            return 0

        lax.fori_loop(0, K // 16, decode, 0)
        e0 = pl.multiple_of(tid * E_TILE, K) + j * K
        pltpu.async_copy(proj.at[cid].at[srow], grows, semg)
        pltpu.async_copy(eproj.at[cid, pl.ds(e0, K)], erows, seme)
        pltpu.make_async_copy(proj.at[cid].at[srow], grows, semg).wait()
        pltpu.make_async_copy(eproj.at[cid, pl.ds(e0, K)], erows, seme).wait()

        def relu_row(r, _):
            for v in range(DH // 16):
                sl = pl.ds(v * 16, 16)
                grows[r, sl] = jnp.maximum(grows[r, sl] + erows[r, sl], 0.0)
            return 0

        lax.fori_loop(0, K, relu_row, 0)
        pltpu.async_copy(grows, acc.at[drow], sems, add=True)
        pltpu.async_copy(ones_v, cnt_acc.at[drow], semc, add=True)
        pltpu.make_async_copy(grows, acc.at[drow], sems).wait()
        pltpu.make_async_copy(ones_v, cnt_acc.at[drow], semc).wait()
        return 0

    lax.fori_loop(0, nsteps, step, 0)
    plsc.subcore_barrier()

    def cout(m, _):
        pltpu.sync_copy(acc.at[pl.ds(r0 + m * K, K)],
                        s_out.at[cid, pl.ds(r0 + m * K, K)])
        return 0

    lax.fori_loop(0, STRIPE // K, cout, 0)
    if rem:
        pltpu.sync_copy(acc.at[pl.ds(r0 + (STRIPE // K) * K, rem)],
                        s_out.at[cid, pl.ds(r0 + (STRIPE // K) * K, rem)])
    pltpu.sync_copy(cnt_acc.at[pl.ds(r0, STRIPE)], zc)
    pltpu.sync_copy(zc, cnt_out.at[pl.ds(cid * S_ROWS + r0, STRIPE)])


def _sc_aggregate(proj, eproj, pack_r):
    mesh = plsc.VectorSubcoreMesh(core_axis_name="c", subcore_axis_name="s")
    return pl.kernel(
        _sc_body,
        out_type=[
            jax.ShapeDtypeStruct((NC, S_ROWS, DH), jnp.float32),
            jax.ShapeDtypeStruct((NC * S_ROWS,), jnp.float32),
        ],
        mesh=mesh,
        scratch_types=[
            pltpu.VMEM((NSTEP, K), jnp.int32),
            pltpu.VMEM((K,), jnp.int32),
            pltpu.VMEM((K,), jnp.int32),
            pltpu.VMEM((K, DH), jnp.float32),
            pltpu.VMEM((K, DH), jnp.float32),
            pltpu.VMEM((K,), jnp.float32),
            pltpu.VMEM((STRIPE,), jnp.float32),
            pltpu.SemaphoreType.DMA,
            pltpu.SemaphoreType.DMA,
            pltpu.SemaphoreType.DMA,
            pltpu.SemaphoreType.DMA,
            pltpu.VMEM_SHARED((S_ROWS, DH), jnp.float32),
            pltpu.VMEM_SHARED((S_ROWS,), jnp.float32),
        ],
    )(proj, eproj, pack_r)


def _final_body(sa_ref, sb_ref, cnt_ref, nf_ref, w2t_ref, b2_ref, g_ref,
                b_ref, o_ref):
    cnt = cnt_ref[...]
    maxc = jnp.maximum(cnt, 1.0)
    s = jnp.concatenate([sa_ref[0], sb_ref[0]], axis=1)
    h = jnp.dot(s, w2t_ref[...], preferred_element_type=jnp.float32)
    h = (h + cnt * b2_ref[...]) / maxc
    x = h + nf_ref[...]
    mean = jnp.mean(x, axis=-1, keepdims=True)
    xc = x - mean
    var = jnp.mean(xc * xc, axis=-1, keepdims=True)
    o_ref[...] = xc * lax.rsqrt(var + EPS) * g_ref[...] + b_ref[...]


def _final(s, cnt, node_feat, w2t, b2, gamma, beta):
    grid = 10
    blk = N_NODES // grid
    return pl.pallas_call(
        _final_body,
        grid=(grid,),
        in_specs=[
            pl.BlockSpec((1, blk, DH), lambda i: (0, i, 0)),
            pl.BlockSpec((1, blk, DH), lambda i: (1, i, 0)),
            pl.BlockSpec((blk, 1), lambda i: (i, 0)),
            pl.BlockSpec((blk, D), lambda i: (i, 0)),
            pl.BlockSpec((D, D), lambda i: (0, 0)),
            pl.BlockSpec((1, D), lambda i: (0, 0)),
            pl.BlockSpec((1, D), lambda i: (0, 0)),
            pl.BlockSpec((1, D), lambda i: (0, 0)),
        ],
        out_specs=pl.BlockSpec((blk, D), lambda i: (i, 0)),
        out_shape=jax.ShapeDtypeStruct((N_NODES, D), jnp.float32),
    )(s, s, cnt, node_feat, w2t, b2, gamma, beta)


def kernel(node_feat, edge_feat, edge_index, W1, b1, W2, b2, gamma, beta):
    n_edges = edge_index.shape[1]
    w1a_t_r = W1[:, :D].T.reshape(D, NC, DH).transpose(1, 0, 2)
    w1b_t_r = W1[:, D:].T.reshape(D_EDGE, NC, DH).transpose(1, 0, 2)
    b1_r = b1.reshape(NC, 1, DH)
    w2t = W2.T

    src = edge_index[0].astype(jnp.int32)
    dst = edge_index[1].astype(jnp.int32)
    packed = src + dst * PACK
    pad = E_PAD - n_edges
    pack_r = jnp.concatenate([packed, jnp.zeros((pad,), jnp.int32)]).reshape(
        NS, NSTEP, K)
    ef_p = jnp.concatenate(
        [edge_feat, jnp.zeros((pad, D_EDGE), jnp.float32)], axis=0)

    proj = _node_proj(node_feat, w1a_t_r)
    eproj = _edge_proj(ef_p, w1b_t_r, b1_r)
    s, cnt = _sc_aggregate(proj, eproj, pack_r)
    return _final(s, cnt[:N_NODES].reshape(N_NODES, 1), node_feat, w2t,
                  b2.reshape(1, D), gamma.reshape(1, D), beta.reshape(1, D))

# --- scband reference (transcript-rebuilt; emitter-appended) ---
"""Pipeline reference for scband-gipadeep-conv-37074157699189 (READ-ONLY COPY).

The authoritative reference and input builder live on the scoring server;
editing this copy changes nothing except your own understanding.
"""

import jax, jax.numpy as jnp
import numpy as np

N_NODES = 10000
N_EDGES = 160000
D_FEAT = 256
D_EDGE = 16
EPS = 1e-5


def setup_inputs(seed: int = 0) -> dict:
    key = jax.random.key(seed)
    ks = jax.random.split(key, 10)
    node_feat = jax.random.normal(ks[0], (N_NODES, D_FEAT), dtype=jnp.float32)
    edge_feat = jax.random.normal(ks[1], (N_EDGES, D_EDGE), dtype=jnp.float32)
    edge_index = jax.random.randint(ks[2], (2, N_EDGES), 0, N_NODES, dtype=jnp.int64 if jax.config.jax_enable_x64 else jnp.int32).astype(jnp.int32)
    # fc1: Linear(in_feats + edge_feats, out_feats)
    fan_in1 = D_FEAT + D_EDGE
    lim1 = 1.0 / np.sqrt(fan_in1)
    W1 = jax.random.uniform(ks[3], (D_FEAT, fan_in1), minval=-lim1, maxval=lim1, dtype=jnp.float32)
    b1 = jax.random.uniform(ks[4], (D_FEAT,), minval=-lim1, maxval=lim1, dtype=jnp.float32)
    # fc2: Linear(out_feats, out_feats)
    lim2 = 1.0 / np.sqrt(D_FEAT)
    W2 = jax.random.uniform(ks[5], (D_FEAT, D_FEAT), minval=-lim2, maxval=lim2, dtype=jnp.float32)
    b2 = jax.random.uniform(ks[6], (D_FEAT,), minval=-lim2, maxval=lim2, dtype=jnp.float32)
    gamma = jnp.ones((D_FEAT,), dtype=jnp.float32)
    beta = jnp.zeros((D_FEAT,), dtype=jnp.float32)
    return {"node_feat": node_feat, "edge_feat": edge_feat, "edge_index": edge_index,
            "W1": W1, "b1": b1, "W2": W2, "b2": b2, "gamma": gamma, "beta": beta}


def reference(node_feat, edge_feat, edge_index, W1, b1, W2, b2, gamma, beta):
    src = edge_index[0]
    dst = edge_index[1]
    # message_func: concat src node feat with edge feat, two-layer MLP with ReLU
    z = jnp.concatenate([jnp.take(node_feat, src, axis=0), edge_feat], axis=-1)
    m = jnp.maximum(z @ W1.T + b1, 0.0)
    m = m @ W2.T + b2
    # mean aggregation over incoming edges per destination node
    summed = jax.ops.segment_sum(m, dst, num_segments=N_NODES)
    counts = jax.ops.segment_sum(jnp.ones((m.shape[0],), dtype=jnp.float32), dst, num_segments=N_NODES)
    h_new = summed / jnp.maximum(counts, 1.0)[:, None]
    # dropout with p=0.0 -> identity (eval mode)
    x = h_new + node_feat
    mean = jnp.mean(x, axis=-1, keepdims=True)
    var = jnp.mean((x - mean) ** 2, axis=-1, keepdims=True)
    out = (x - mean) / jnp.sqrt(var + EPS) * gamma + beta
    return out

if __name__ == "__main__":
    import jax
    _d = setup_inputs()
    print(jax.jit(kernel)(*tuple(_d.values())))

</pallas_src>

<mosaic_0001>
#map = affine_map<(d0, d1) -> (0, 0, 0)>
#map1 = affine_map<(d0, d1) -> (0)>
module attributes {stable_mosaic.version = 14 : i64} {
  func.func @_sc_body(%arg0: i32, %arg1: i32, %arg2: memref<2x10000x128xf32, #tpu.memory_space<hbm>>, %arg3: memref<2x163840x128xf32, #tpu.memory_space<hbm>>, %arg4: memref<16x80x128xi32, #tpu.memory_space<hbm>>, %arg5: memref<2x10112x128xf32, #tpu.memory_space<hbm>>, %arg6: memref<20224xf32, #tpu.memory_space<hbm>>, %arg7: memref<80x128xi32, #tpu.memory_space<vmem>>, %arg8: memref<128xi32, #tpu.memory_space<vmem>>, %arg9: memref<128xi32, #tpu.memory_space<vmem>>, %arg10: memref<128x128xf32, #tpu.memory_space<vmem>>, %arg11: memref<128x128xf32, #tpu.memory_space<vmem>>, %arg12: memref<128xf32, #tpu.memory_space<vmem>>, %arg13: memref<632xf32, #tpu.memory_space<vmem>>, %arg14: memref<!tpu.dma_semaphore, #tpu.memory_space<semaphore_mem>>, %arg15: memref<!tpu.dma_semaphore, #tpu.memory_space<semaphore_mem>>, %arg16: memref<!tpu.dma_semaphore, #tpu.memory_space<semaphore_mem>>, %arg17: memref<!tpu.dma_semaphore, #tpu.memory_space<semaphore_mem>>, %arg18: memref<10112x128xf32, #tpu.memory_space<vmem_shared>>, %arg19: memref<10112xf32, #tpu.memory_space<vmem_shared>>) attributes {dimension_semantics = [#tpu.dimension_semantics<core_parallel>, #tpu.dimension_semantics<subcore_parallel>], iteration_bounds = array<i64: 2, 16>, scalar_prefetch = 0 : i64, scratch_operands = 13 : i64, tpu.core_type = #tpu.core_type<sc_vector_subcore>, window_params = [{transform_indices = #map}, {transform_indices = #map}, {transform_indices = #map}, {transform_indices = #map}, {transform_indices = #map1}]} {
    "tpu.region"() ({
      %run_scoped3A = tpu.sem_alloc : memref<!tpu.dma_semaphore, #tpu.memory_space<semaphore_mem>>
      %dma_start3A = arith.constant 0 : i32
      %dma_start3A_61 = arith.constant 0 : i32
      %dma_start3A_62 = tpu.memref_slice %arg4[%arg1, %dma_start3A, %dma_start3A_61] : memref<16x80x128xi32, #tpu.memory_space<hbm>> -> memref<1x80x128xi32, #tpu.memory_space<hbm>>
      %dma_start3A_63 = tpu.memref_squeeze %dma_start3A_62 : memref<1x80x128xi32, #tpu.memory_space<hbm>> -> memref<80x128xi32, #tpu.memory_space<hbm>>
      %dma_start3A_64 = arith.constant 0 : i32
      %dma_start3A_65 = arith.constant 0 : i32
      %dma_start3A_66 = tpu.memref_slice %arg4[%arg1, %dma_start3A_64, %dma_start3A_65] : memref<16x80x128xi32, #tpu.memory_space<hbm>> -> memref<1x80x128xi32, #tpu.memory_space<hbm>>
      %dma_start3A_67 = tpu.memref_squeeze %dma_start3A_66 : memref<1x80x128xi32, #tpu.memory_space<hbm>> -> memref<80x128xi32, #tpu.memory_space<hbm>>
      tpu.enqueue_dma source(%dma_start3A_67 : memref<80x128xi32, #tpu.memory_space<hbm>>) target(%arg7 : memref<80x128xi32, #tpu.memory_space<vmem>>) target_semaphore(%run_scoped3A : memref<!tpu.dma_semaphore, #tpu.memory_space<semaphore_mem>>)
      %dma_wait3A = arith.constant 0 : i32
      %dma_wait3A_68 = arith.constant 0 : i32
      %dma_wait3A_69 = tpu.memref_slice %arg4[%arg1, %dma_wait3A, %dma_wait3A_68] : memref<16x80x128xi32, #tpu.memory_space<hbm>> -> memref<1x80x128xi32, #tpu.memory_space<hbm>>
      %dma_wait3A_70 = tpu.memref_squeeze %dma_wait3A_69 : memref<1x80x128xi32, #tpu.memory_space<hbm>> -> memref<80x128xi32, #tpu.memory_space<hbm>>
      %dma_wait3A_71 = arith.constant 0 : i32
      %dma_wait3A_72 = arith.constant 0 : i32
      %dma_wait3A_73 = tpu.memref_slice %arg4[%arg1, %dma_wait3A_71, %dma_wait3A_72] : memref<16x80x128xi32, #tpu.memory_space<hbm>> -> memref<1x80x128xi32, #tpu.memory_space<hbm>>
      %dma_wait3A_74 = tpu.memref_squeeze %dma_wait3A_73 : memref<1x80x128xi32, #tpu.memory_space<hbm>> -> memref<80x128xi32, #tpu.memory_space<hbm>>
      tpu.wait_dma2 semaphore(%run_scoped3A : memref<!tpu.dma_semaphore, #tpu.memory_space<semaphore_mem>>) src(%dma_wait3A_74 : memref<80x128xi32, #tpu.memory_space<hbm>>) dst(%arg7 : memref<80x128xi32, #tpu.memory_space<vmem>>)
      tpu.yield
    }) : () -> ()
    %broadcast_in_dim3A = arith.constant 0.000000e+00 : f32
    %broadcast_in_dim3A_0 = vector.broadcast %broadcast_in_dim3A : f32 to vector<16xf32>
    %broadcast_in_dim3A_1 = arith.constant 1.000000e+00 : f32
    %broadcast_in_dim3A_2 = vector.broadcast %broadcast_in_dim3A_1 : f32 to vector<16xf32>
    %scan3A = arith.constant 0 : i32
    %scan3A_3 = arith.constant 0 : i32
    %scan3A_4 = arith.constant 128 : i32
    %scan3A_5 = arith.addi %scan3A_3, %scan3A_4 : i32
    %scan3A_6 = arith.constant 1 : i32
    %scan3A_7 = scf.for %scan3A_61 = %scan3A_3 to %scan3A_5 step %scan3A_6 iter_args(%scan3A_62 = %scan3A) -> (i32)  : i32 {
      %swap3A = arith.index_cast %scan3A_61 : i32 to index
      %swap3A_63 = arith.constant 0 : index
      %swap3A_64 = tpu.vector_load %arg10[%swap3A, %swap3A_63] {strides = array<i32>} : memref<128x128xf32, #tpu.memory_space<vmem>>, vector<1x16xf32>,
      %swap3A_65 = vector.shape_cast %swap3A_64 : vector<1x16xf32> to vector<16xf32>
      %swap3A_66 = vector.shape_cast %broadcast_in_dim3A_0 : vector<16xf32> to vector<1x16xf32>
      tpu.vector_store %arg10[%swap3A, %swap3A_63], %swap3A_66 {strides = array<i32>} : memref<128x128xf32, #tpu.memory_space<vmem>>, vector<1x16xf32>,
      %swap3A_67 = arith.index_cast %scan3A_61 : i32 to index
      %swap3A_68 = arith.constant 16 : index
      %swap3A_69 = tpu.vector_load %arg10[%swap3A_67, %swap3A_68] {strides = array<i32>} : memref<128x128xf32, #tpu.memory_space<vmem>>, vector<1x16xf32>,
      %swap3A_70 = vector.shape_cast %swap3A_69 : vector<1x16xf32> to vector<16xf32>
      %swap3A_71 = vector.shape_cast %broadcast_in_dim3A_0 : vector<16xf32> to vector<1x16xf32>
      tpu.vector_store %arg10[%swap3A_67, %swap3A_68], %swap3A_71 {strides = array<i32>} : memref<128x128xf32, #tpu.memory_space<vmem>>, vector<1x16xf32>,
      %swap3A_72 = arith.index_cast %scan3A_61 : i32 to index
      %swap3A_73 = arith.constant 32 : index
      %swap3A_74 = tpu.vector_load %arg10[%swap3A_72, %swap3A_73] {strides = array<i32>} : memref<128x128xf32, #tpu.memory_space<vmem>>, vector<1x16xf32>,
      %swap3A_75 = vector.shape_cast %swap3A_74 : vector<1x16xf32> to vector<16xf32>
      %swap3A_76 = vector.shape_cast %broadcast_in_dim3A_0 : vector<16xf32> to vector<1x16xf32>
      tpu.vector_store %arg10[%swap3A_72, %swap3A_73], %swap3A_76 {strides = array<i32>} : memref<128x128xf32, #tpu.memory_space<vmem>>, vector<1x16xf32>,
      %swap3A_77 = arith.index_cast %scan3A_61 : i32 to index
      %swap3A_78 = arith.constant 48 : index
      %swap3A_79 = tpu.vector_load %arg10[%swap3A_77, %swap3A_78] {strides = array<i32>} : memref<128x128xf32, #tpu.memory_space<vmem>>, vector<1x16xf32>,
      %swap3A_80 = vector.shape_cast %swap3A_79 : vector<1x16xf32> to vector<16xf32>
      %swap3A_81 = vector.shape_cast %broadcast_in_dim3A_0 : vector<16xf32> to vector<1x16xf32>
      tpu.vector_store %arg10[%swap3A_77, %swap3A_78], %swap3A_81 {strides = array<i32>} : memref<128x128xf32, #tpu.memory_space<vmem>>, vector<1x16xf32>,
      %swap3A_82 = arith.index_cast %scan3A_61 : i32 to index
      %swap3A_83 = arith.constant 64 : index
      %swap3A_84 = tpu.vector_load %arg10[%swap3A_82, %swap3A_83] {strides = array<i32>} : memref<128x128xf32, #tpu.memory_space<vmem>>, vector<1x16xf32>,
      %swap3A_85 = vector.shape_cast %swap3A_84 : vector<1x16xf32> to vector<16xf32>
      %swap3A_86 = vector.shape_cast %broadcast_in_dim3A_0 : vector<16xf32> to vector<1x16xf32>
      tpu.vector_store %arg10[%swap3A_82, %swap3A_83], %swap3A_86 {strides = array<i32>} : memref<128x128xf32, #tpu.memory_space<vmem>>, vector<1x16xf32>,
      %swap3A_87 = arith.index_cast %scan3A_61 : i32 to index
      %swap3A_88 = arith.constant 80 : index
      %swap3A_89 = tpu.vector_load %arg10[%swap3A_87, %swap3A_88] {strides = array<i32>} : memref<128x128xf32, #tpu.memory_space<vmem>>, vector<1x16xf32>,
      %swap3A_90 = vector.shape_cast %swap3A_89 : vector<1x16xf32> to vector<16xf32>
      %swap3A_91 = vector.shape_cast %broadcast_in_dim3A_0 : vector<16xf32> to vector<1x16xf32>
      tpu.vector_store %arg10[%swap3A_87, %swap3A_88], %swap3A_91 {strides = array<i32>} : memref<128x128xf32, #tpu.memory_space<vmem>>, vector<1x16xf32>,
      %swap3A_92 = arith.index_cast %scan3A_61 : i32 to index
      %swap3A_93 = arith.constant 96 : index
      %swap3A_94 = tpu.vector_load %arg10[%swap3A_92, %swap3A_93] {strides = array<i32>} : memref<128x128xf32, #tpu.memory_space<vmem>>, vector<1x16xf32>,
      %swap3A_95 = vector.shape_cast %swap3A_94 : vector<1x16xf32> to vector<16xf32>
      %swap3A_96 = vector.shape_cast %broadcast_in_dim3A_0 : vector<16xf32> to vector<1x16xf32>
      tpu.vector_store %arg10[%swap3A_92, %swap3A_93], %swap3A_96 {strides = array<i32>} : memref<128x128xf32, #tpu.memory_space<vmem>>, vector<1x16xf32>,
      %swap3A_97 = arith.index_cast %scan3A_61 : i32 to index
      %swap3A_98 = arith.constant 112 : index
      %swap3A_99 = tpu.vector_load %arg10[%swap3A_97, %swap3A_98] {strides = array<i32>} : memref<128x128xf32, #tpu.memory_space<vmem>>, vector<1x16xf32>,
      %swap3A_100 = vector.shape_cast %swap3A_99 : vector<1x16xf32> to vector<16xf32>
      %swap3A_101 = vector.shape_cast %broadcast_in_dim3A_0 : vector<16xf32> to vector<1x16xf32>
      tpu.vector_store %arg10[%swap3A_97, %swap3A_98], %swap3A_101 {strides = array<i32>} : memref<128x128xf32, #tpu.memory_space<vmem>>, vector<1x16xf32>,
      %scan3A_102 = arith.constant 0 : i32
      scf.yield %scan3A_102 : i32
    }
    %scan3A_8 = arith.constant 128 : i32
    %scan3A_9 = arith.constant 0 : i32
    %scan3A_10 = arith.constant 0 : i32
    %scan3A_11 = arith.constant 8 : i32
    %scan3A_12 = arith.addi %scan3A_10, %scan3A_11 : i32
    %scan3A_13 = arith.constant 1 : i32
    %scan3A_14 = scf.for %scan3A_61 = %scan3A_10 to %scan3A_12 step %scan3A_13 iter_args(%scan3A_62 = %scan3A_9) -> (i32)  : i32 {
      %mul3A_63 = arith.constant 16 : i32
      %mul3A_64 = arith.muli %scan3A_61, %mul3A_63 : i32
      %swap3A = arith.index_cast %mul3A_64 : i32 to index
      %swap3A_65 = tpu.vector_load %arg12[%swap3A] {strides = array<i32>} : memref<128xf32, #tpu.memory_space<vmem>>, vector<16xf32>,
      %swap3A_66 = vector.shape_cast %swap3A_65 : vector<16xf32> to vector<16xf32>
      %swap3A_67 = vector.shape_cast %broadcast_in_dim3A_2 : vector<16xf32> to vector<16xf32>
      tpu.vector_store %arg12[%swap3A], %swap3A_67 {strides = array<i32>} : memref<128xf32, #tpu.memory_space<vmem>>, vector<16xf32>,
      %scan3A_68 = arith.constant 0 : i32
      scf.yield %scan3A_68 : i32
    }
    %scan3A_15 = arith.constant 8 : i32
    %scan3A_16 = arith.constant 0 : i32
    %scan3A_17 = arith.constant 0 : i32
    %scan3A_18 = arith.constant 39 : i32
    %scan3A_19 = arith.addi %scan3A_17, %scan3A_18 : i32
    %scan3A_20 = arith.constant 1 : i32
    %scan3A_21 = scf.for %scan3A_61 = %scan3A_17 to %scan3A_19 step %scan3A_20 iter_args(%scan3A_62 = %scan3A_16) -> (i32)  : i32 {
      %mul3A_63 = arith.constant 16 : i32
      %mul3A_64 = arith.muli %scan3A_61, %mul3A_63 : i32
      %swap3A = arith.index_cast %mul3A_64 : i32 to index
      %swap3A_65 = tpu.vector_load %arg13[%swap3A] {strides = array<i32>} : memref<632xf32, #tpu.memory_space<vmem>>, vector<16xf32>,
      %swap3A_66 = vector.shape_cast %swap3A_65 : vector<16xf32> to vector<16xf32>
      %swap3A_67 = vector.shape_cast %broadcast_in_dim3A_0 : vector<16xf32> to vector<16xf32>
      tpu.vector_store %arg13[%swap3A], %swap3A_67 {strides = array<i32>} : memref<632xf32, #tpu.memory_space<vmem>>, vector<16xf32>,
      %scan3A_68 = arith.constant 0 : i32
      scf.yield %scan3A_68 : i32
    }
    %scan3A_22 = arith.constant 39 : i32
    %mul3A = arith.constant 632 : i32
    %mul3A_23 = arith.muli %arg1, %mul3A : i32
    %multiple_of3A = tpu.assume_multiple %mul3A_23, 8 : i32
    %add3A = arith.constant 0 : i32
    %add3A_24 = arith.addi %multiple_of3A, %add3A : i32
    "tpu.region"() ({
      %run_scoped3A = tpu.sem_alloc : memref<!tpu.dma_semaphore, #tpu.memory_space<semaphore_mem>>
      %dma_start3A = arith.constant 0 : i32
      %dma_start3A_61 = tpu.memref_slice %arg18[%add3A_24, %dma_start3A] : memref<10112x128xf32, #tpu.memory_space<vmem_shared>> -> memref<128x128xf32, #tpu.memory_space<vmem_shared>>
      %dma_start3A_62 = arith.constant 0 : i32
      %dma_start3A_63 = tpu.memref_slice %arg18[%add3A_24, %dma_start3A_62] : memref<10112x128xf32, #tpu.memory_space<vmem_shared>> -> memref<128x128xf32, #tpu.memory_space<vmem_shared>>
      tpu.enqueue_dma source(%arg10 : memref<128x128xf32, #tpu.memory_space<vmem>>) target(%dma_start3A_63 : memref<128x128xf32, #tpu.memory_space<vmem_shared>>) target_semaphore(%run_scoped3A : memref<!tpu.dma_semaphore, #tpu.memory_space<semaphore_mem>>)
      %dma_wait3A = arith.constant 0 : i32
      %dma_wait3A_64 = tpu.memref_slice %arg18[%add3A_24, %dma_wait3A] : memref<10112x128xf32, #tpu.memory_space<vmem_shared>> -> memref<128x128xf32, #tpu.memory_space<vmem_shared>>
      %dma_wait3A_65 = arith.constant 0 : i32
      %dma_wait3A_66 = tpu.memref_slice %arg18[%add3A_24, %dma_wait3A_65] : memref<10112x128xf32, #tpu.memory_space<vmem_shared>> -> memref<128x128xf32, #tpu.memory_space<vmem_shared>>
      tpu.wait_dma2 semaphore(%run_scoped3A : memref<!tpu.dma_semaphore, #tpu.memory_space<semaphore_mem>>) src(%arg10 : memref<128x128xf32, #tpu.memory_space<vmem>>) dst(%dma_wait3A_66 : memref<128x128xf32, #tpu.memory_space<vmem_shared>>)
      tpu.yield
    }) : () -> ()
    %add3A_25 = arith.constant 128 : i32
    %add3A_26 = arith.addi %multiple_of3A, %add3A_25 : i32
    "tpu.region"() ({
      %run_scoped3A = tpu.sem_alloc : memref<!tpu.dma_semaphore, #tpu.memory_space<semaphore_mem>>
      %dma_start3A = arith.constant 0 : i32
      %dma_start3A_61 = tpu.memref_slice %arg18[%add3A_26, %dma_start3A] : memref<10112x128xf32, #tpu.memory_space<vmem_shared>> -> memref<128x128xf32, #tpu.memory_space<vmem_shared>>
      %dma_start3A_62 = arith.constant 0 : i32
      %dma_start3A_63 = tpu.memref_slice %arg18[%add3A_26, %dma_start3A_62] : memref<10112x128xf32, #tpu.memory_space<vmem_shared>> -> memref<128x128xf32, #tpu.memory_space<vmem_shared>>
      tpu.enqueue_dma source(%arg10 : memref<128x128xf32, #tpu.memory_space<vmem>>) target(%dma_start3A_63 : memref<128x128xf32, #tpu.memory_space<vmem_shared>>) target_semaphore(%run_scoped3A : memref<!tpu.dma_semaphore, #tpu.memory_space<semaphore_mem>>)
      %dma_wait3A = arith.constant 0 : i32
      %dma_wait3A_64 = tpu.memref_slice %arg18[%add3A_26, %dma_wait3A] : memref<10112x128xf32, #tpu.memory_space<vmem_shared>> -> memref<128x128xf32, #tpu.memory_space<vmem_shared>>
      %dma_wait3A_65 = arith.constant 0 : i32
      %dma_wait3A_66 = tpu.memref_slice %arg18[%add3A_26, %dma_wait3A_65] : memref<10112x128xf32, #tpu.memory_space<vmem_shared>> -> memref<128x128xf32, #tpu.memory_space<vmem_shared>>
      tpu.wait_dma2 semaphore(%run_scoped3A : memref<!tpu.dma_semaphore, #tpu.memory_space<semaphore_mem>>) src(%arg10 : memref<128x128xf32, #tpu.memory_space<vmem>>) dst(%dma_wait3A_66 : memref<128x128xf32, #tpu.memory_space<vmem_shared>>)
      tpu.yield
    }) : () -> ()
    %add3A_27 = arith.constant 256 : i32
    %add3A_28 = arith.addi %multiple_of3A, %add3A_27 : i32
    "tpu.region"() ({
      %run_scoped3A = tpu.sem_alloc : memref<!tpu.dma_semaphore, #tpu.memory_space<semaphore_mem>>
      %dma_start3A = arith.constant 0 : i32
      %dma_start3A_61 = tpu.memref_slice %arg18[%add3A_28, %dma_start3A] : memref<10112x128xf32, #tpu.memory_space<vmem_shared>> -> memref<128x128xf32, #tpu.memory_space<vmem_shared>>
      %dma_start3A_62 = arith.constant 0 : i32
      %dma_start3A_63 = tpu.memref_slice %arg18[%add3A_28, %dma_start3A_62] : memref<10112x128xf32, #tpu.memory_space<vmem_shared>> -> memref<128x128xf32, #tpu.memory_space<vmem_shared>>
      tpu.enqueue_dma source(%arg10 : memref<128x128xf32, #tpu.memory_space<vmem>>) target(%dma_start3A_63 : memref<128x128xf32, #tpu.memory_space<vmem_shared>>) target_semaphore(%run_scoped3A : memref<!tpu.dma_semaphore, #tpu.memory_space<semaphore_mem>>)
      %dma_wait3A = arith.constant 0 : i32
      %dma_wait3A_64 = tpu.memref_slice %arg18[%add3A_28, %dma_wait3A] : memref<10112x128xf32, #tpu.memory_space<vmem_shared>> -> memref<128x128xf32, #tpu.memory_space<vmem_shared>>
      %dma_wait3A_65 = arith.constant 0 : i32
      %dma_wait3A_66 = tpu.memref_slice %arg18[%add3A_28, %dma_wait3A_65] : memref<10112x128xf32, #tpu.memory_space<vmem_shared>> -> memref<128x128xf32, #tpu.memory_space<vmem_shared>>
      tpu.wait_dma2 semaphore(%run_scoped3A : memref<!tpu.dma_semaphore, #tpu.memory_space<semaphore_mem>>) src(%arg10 : memref<128x128xf32, #tpu.memory_space<vmem>>) dst(%dma_wait3A_66 : memref<128x128xf32, #tpu.memory_space<vmem_shared>>)
      tpu.yield
    }) : () -> ()
    %add3A_29 = arith.constant 384 : i32
    %add3A_30 = arith.addi %multiple_of3A, %add3A_29 : i32
    "tpu.region"() ({
      %run_scoped3A = tpu.sem_alloc : memref<!tpu.dma_semaphore, #tpu.memory_space<semaphore_mem>>
      %dma_start3A = arith.constant 0 : i32
      %dma_start3A_61 = tpu.memref_slice %arg18[%add3A_30, %dma_start3A] : memref<10112x128xf32, #tpu.memory_space<vmem_shared>> -> memref<128x128xf32, #tpu.memory_space<vmem_shared>>
      %dma_start3A_62 = arith.constant 0 : i32
      %dma_start3A_63 = tpu.memref_slice %arg18[%add3A_30, %dma_start3A_62] : memref<10112x128xf32, #tpu.memory_space<vmem_shared>> -> memref<128x128xf32, #tpu.memory_space<vmem_shared>>
      tpu.enqueue_dma source(%arg10 : memref<128x128xf32, #tpu.memory_space<vmem>>) target(%dma_start3A_63 : memref<128x128xf32, #tpu.memory_space<vmem_shared>>) target_semaphore(%run_scoped3A : memref<!tpu.dma_semaphore, #tpu.memory_space<semaphore_mem>>)
      %dma_wait3A = arith.constant 0 : i32
      %dma_wait3A_64 = tpu.memref_slice %arg18[%add3A_30, %dma_wait3A] : memref<10112x128xf32, #tpu.memory_space<vmem_shared>> -> memref<128x128xf32, #tpu.memory_space<vmem_shared>>
      %dma_wait3A_65 = arith.constant 0 : i32
      %dma_wait3A_66 = tpu.memref_slice %arg18[%add3A_30, %dma_wait3A_65] : memref<10112x128xf32, #tpu.memory_space<vmem_shared>> -> memref<128x128xf32, #tpu.memory_space<vmem_shared>>
      tpu.wait_dma2 semaphore(%run_scoped3A : memref<!tpu.dma_semaphore, #tpu.memory_space<semaphore_mem>>) src(%arg10 : memref<128x128xf32, #tpu.memory_space<vmem>>) dst(%dma_wait3A_66 : memref<128x128xf32, #tpu.memory_space<vmem_shared>>)
      tpu.yield
    }) : () -> ()
    %add3A_31 = arith.constant 512 : i32
    %add3A_32 = arith.addi %multiple_of3A, %add3A_31 : i32
    "tpu.region"() ({
      %run_scoped3A = tpu.sem_alloc : memref<!tpu.dma_semaphore, #tpu.memory_space<semaphore_mem>>
      %dma_start3A = arith.constant 0 : i32
      %dma_start3A_61 = arith.constant 0 : i32
      %dma_start3A_62 = tpu.memref_slice %arg10[%dma_start3A, %dma_start3A_61] : memref<128x128xf32, #tpu.memory_space<vmem>> -> memref<120x128xf32, #tpu.memory_space<vmem>>
      %dma_start3A_63 = arith.constant 0 : i32
      %dma_start3A_64 = tpu.memref_slice %arg18[%add3A_32, %dma_start3A_63] : memref<10112x128xf32, #tpu.memory_space<vmem_shared>> -> memref<120x128xf32, #tpu.memory_space<vmem_shared>>
      %dma_start3A_65 = arith.constant 0 : i32
      %dma_start3A_66 = tpu.memref_slice %arg18[%add3A_32, %dma_start3A_65] : memref<10112x128xf32, #tpu.memory_space<vmem_shared>> -> memref<120x128xf32, #tpu.memory_space<vmem_shared>>
      %dma_start3A_67 = arith.constant 0 : i32
      %dma_start3A_68 = arith.constant 0 : i32
      %dma_start3A_69 = tpu.memref_slice %arg10[%dma_start3A_67, %dma_start3A_68] : memref<128x128xf32, #tpu.memory_space<vmem>> -> memref<120x128xf32, #tpu.memory_space<vmem>>
      tpu.enqueue_dma source(%dma_start3A_69 : memref<120x128xf32, #tpu.memory_space<vmem>>) target(%dma_start3A_66 : memref<120x128xf32, #tpu.memory_space<vmem_shared>>) target_semaphore(%run_scoped3A : memref<!tpu.dma_semaphore, #tpu.memory_space<semaphore_mem>>)
      %dma_wait3A = arith.constant 0 : i32
      %dma_wait3A_70 = arith.constant 0 : i32
      %dma_wait3A_71 = tpu.memref_slice %arg10[%dma_wait3A, %dma_wait3A_70] : memref<128x128xf32, #tpu.memory_space<vmem>> -> memref<120x128xf32, #tpu.memory_space<vmem>>
      %dma_wait3A_72 = arith.constant 0 : i32
      %dma_wait3A_73 = tpu.memref_slice %arg18[%add3A_32, %dma_wait3A_72] : memref<10112x128xf32, #tpu.memory_space<vmem_shared>> -> memref<120x128xf32, #tpu.memory_space<vmem_shared>>
      %dma_wait3A_74 = arith.constant 0 : i32
      %dma_wait3A_75 = tpu.memref_slice %arg18[%add3A_32, %dma_wait3A_74] : memref<10112x128xf32, #tpu.memory_space<vmem_shared>> -> memref<120x128xf32, #tpu.memory_space<vmem_shared>>
      %dma_wait3A_76 = arith.constant 0 : i32
      %dma_wait3A_77 = arith.constant 0 : i32
      %dma_wait3A_78 = tpu.memref_slice %arg10[%dma_wait3A_76, %dma_wait3A_77] : memref<128x128xf32, #tpu.memory_space<vmem>> -> memref<120x128xf32, #tpu.memory_space<vmem>>
      tpu.wait_dma2 semaphore(%run_scoped3A : memref<!tpu.dma_semaphore, #tpu.memory_space<semaphore_mem>>) src(%dma_wait3A_78 : memref<120x128xf32, #tpu.memory_space<vmem>>) dst(%dma_wait3A_75 : memref<120x128xf32, #tpu.memory_space<vmem_shared>>)
      tpu.yield
    }) : () -> ()
    "tpu.region"() ({
      %run_scoped3A = tpu.sem_alloc : memref<!tpu.dma_semaphore, #tpu.memory_space<semaphore_mem>>
      %dma_start3A = tpu.memref_slice %arg19[%multiple_of3A] : memref<10112xf32, #tpu.memory_space<vmem_shared>> -> memref<632xf32, #tpu.memory_space<vmem_shared>>
      %dma_start3A_61 = tpu.memref_slice %arg19[%multiple_of3A] : memref<10112xf32, #tpu.memory_space<vmem_shared>> -> memref<632xf32, #tpu.memory_space<vmem_shared>>
      tpu.enqueue_dma source(%arg13 : memref<632xf32, #tpu.memory_space<vmem>>) target(%dma_start3A_61 : memref<632xf32, #tpu.memory_space<vmem_shared>>) target_semaphore(%run_scoped3A : memref<!tpu.dma_semaphore, #tpu.memory_space<semaphore_mem>>)
      %dma_wait3A = tpu.memref_slice %arg19[%multiple_of3A] : memref<10112xf32, #tpu.memory_space<vmem_shared>> -> memref<632xf32, #tpu.memory_space<vmem_shared>>
      %dma_wait3A_62 = tpu.memref_slice %arg19[%multiple_of3A] : memref<10112xf32, #tpu.memory_space<vmem_shared>> -> memref<632xf32, #tpu.memory_space<vmem_shared>>
      tpu.wait_dma2 semaphore(%run_scoped3A : memref<!tpu.dma_semaphore, #tpu.memory_space<semaphore_mem>>) src(%arg13 : memref<632xf32, #tpu.memory_space<vmem>>) dst(%dma_wait3A_62 : memref<632xf32, #tpu.memory_space<vmem_shared>>)
      tpu.yield
    }) : () -> ()
    %barrier3A = arith.constant 0 : index
    tpu.barrier barrier_id(%barrier3A)
    %eq3A = arith.constant 15 : i32
    %eq3A_33 = arith.cmpi eq, %arg1, %eq3A : i32
    %jit3A = arith.constant 50 : i32
    %jit3A_34 = arith.constant 80 : i32
    %select_n3A = arith.select %eq3A_33, %jit3A, %jit3A_34 : i32
    %while3A = arith.constant 0 : i32
    %while3A_35 = arith.constant 0 : i32
    %while3A_36 = arith.subi %select_n3A, %while3A : i32
    %while3A_37 = arith.addi %while3A, %while3A_36 : i32
    %while3A_38 = arith.constant 1 : i32
    %while3A_39 = arith.divsi %while3A_36, %while3A_38 : i32
    %while3A_40 = arith.muli %while3A_39, %while3A_38 : i32
    %while3A_41 = arith.addi %while3A, %while3A_40 : i32
    %while3A_42 = arith.constant 1 : i32
    %while3A_43 = scf.for %while3A_61 = %while3A to %while3A_41 step %while3A_42 iter_args(%while3A_62 = %while3A_35) -> (i32)  : i32 {
      %scan3A_63 = arith.constant 0 : i32
      %scan3A_64 = arith.constant 0 : i32
      %scan3A_65 = arith.constant 8 : i32
      %scan3A_66 = arith.addi %scan3A_64, %scan3A_65 : i32
      %scan3A_67 = arith.constant 1 : i32
      %scan3A_68 = scf.for %scan3A_118 = %scan3A_64 to %scan3A_66 step %scan3A_67 iter_args(%scan3A_119 = %scan3A_63) -> (i32)  : i32 {
        %mul3A_120 = arith.constant 16 : i32
        %mul3A_121 = arith.muli %scan3A_118, %mul3A_120 : i32
        %get3A = arith.index_cast %while3A_61 : i32 to index
        %get3A_122 = arith.index_cast %mul3A_121 : i32 to index
        %get3A_123 = tpu.vector_load %arg7[%get3A, %get3A_122] {strides = array<i32>} : memref<80x128xi32, #tpu.memory_space<vmem>>, vector<1x16xi32>,
        %get3A_124 = vector.shape_cast %get3A_123 : vector<1x16xi32> to vector<16xi32>
        %and3A = arith.constant 16383 : i32
        %and3A_125 = vector.broadcast %and3A : i32 to vector<16xi32>
        %and3A_126 = arith.andi %get3A_124, %and3A_125 : vector<16xi32>
        %swap3A = arith.index_cast %mul3A_121 : i32 to index
        %swap3A_127 = tpu.vector_load %arg8[%swap3A] {strides = array<i32>} : memref<128xi32, #tpu.memory_space<vmem>>, vector<16xi32>,
        %swap3A_128 = vector.shape_cast %swap3A_127 : vector<16xi32> to vector<16xi32>
        %swap3A_129 = vector.shape_cast %and3A_126 : vector<16xi32> to vector<16xi32>
        tpu.vector_store %arg8[%swap3A], %swap3A_129 {strides = array<i32>} : memref<128xi32, #tpu.memory_space<vmem>>, vector<16xi32>,
        %shift_right_arithmetic3A = arith.constant 14 : i32
        %shift_right_arithmetic3A_130 = vector.broadcast %shift_right_arithmetic3A : i32 to vector<16xi32>
        %shift_right_arithmetic3A_131 = arith.shrsi %get3A_124, %shift_right_arithmetic3A_130 : vector<16xi32>
        %swap3A_132 = arith.index_cast %mul3A_121 : i32 to index
        %swap3A_133 = tpu.vector_load %arg9[%swap3A_132] {strides = array<i32>} : memref<128xi32, #tpu.memory_space<vmem>>, vector<16xi32>,
        %swap3A_134 = vector.shape_cast %swap3A_133 : vector<16xi32> to vector<16xi32>
        %swap3A_135 = vector.shape_cast %shift_right_arithmetic3A_131 : vector<16xi32> to vector<16xi32>
        tpu.vector_store %arg9[%swap3A_132], %swap3A_135 {strides = array<i32>} : memref<128xi32, #tpu.memory_space<vmem>>, vector<16xi32>,
        %scan3A_136 = arith.constant 0 : i32
        scf.yield %scan3A_136 : i32
      }
      %scan3A_69 = arith.constant 8 : i32
      %mul3A_70 = arith.constant 10240 : i32
      %mul3A_71 = arith.muli %arg1, %mul3A_70 : i32
      %multiple_of3A_72 = tpu.assume_multiple %mul3A_71, 128 : i32
      %mul3A_73 = arith.constant 128 : i32
      %mul3A_74 = arith.muli %while3A_61, %mul3A_73 : i32
      %add3A_75 = arith.addi %multiple_of3A_72, %mul3A_74 : i32
      %dma_start3A = arith.constant 0 : i32
      %dma_start3A_76 = arith.constant 0 : i32
      %dma_start3A_77 = tpu.memref_slice %arg2[%arg0, %dma_start3A, %dma_start3A_76] : memref<2x10000x128xf32, #tpu.memory_space<hbm>> -> memref<1x10000x128xf32, #tpu.memory_space<hbm>>
      %dma_start3A_78 = tpu.memref_squeeze %dma_start3A_77 : memref<1x10000x128xf32, #tpu.memory_space<hbm>> -> memref<10000x128xf32, #tpu.memory_space<hbm>>
      %dma_start3A_79 = arith.constant 0 : i32
      %dma_start3A_80 = arith.constant 0 : i32
      %dma_start3A_81 = tpu.memref_slice %dma_start3A_78[%dma_start3A_79, %dma_start3A_80] : memref<10000x128xf32, #tpu.memory_space<hbm>> -> memref<10000x128xf32, #tpu.memory_space<hbm>>
      tpu.enqueue_indirect_dma source(%dma_start3A_81 : memref<10000x128xf32, #tpu.memory_space<hbm>>) target(%arg10 : memref<128x128xf32, #tpu.memory_space<vmem>>) offsets(%arg8 : memref<128xi32, #tpu.memory_space<vmem>>) semaphore(%arg14 : memref<!tpu.dma_semaphore, #tpu.memory_space<semaphore_mem>>)
      %dma_start3A_82 = arith.constant 0 : i32
      %dma_start3A_83 = tpu.memref_slice %arg3[%arg0, %add3A_75, %dma_start3A_82] : memref<2x163840x128xf32, #tpu.memory_space<hbm>> -> memref<1x128x128xf32, #tpu.memory_space<hbm>>
      %dma_start3A_84 = tpu.memref_squeeze %dma_start3A_83 : memref<1x128x128xf32, #tpu.memory_space<hbm>> -> memref<128x128xf32, #tpu.memory_space<hbm>>
      %dma_start3A_85 = arith.constant 0 : i32
      %dma_start3A_86 = tpu.memref_slice %arg3[%arg0, %add3A_75, %dma_start3A_85] : memref<2x163840x128xf32, #tpu.memory_space<hbm>> -> memref<1x128x128xf32, #tpu.memory_space<hbm>>
      %dma_start3A_87 = tpu.memref_squeeze %dma_start3A_86 : memref<1x128x128xf32, #tpu.memory_space<hbm>> -> memref<128x128xf32, #tpu.memory_space<hbm>>
      tpu.enqueue_dma source(%dma_start3A_87 : memref<128x128xf32, #tpu.memory_space<hbm>>) target(%arg11 : memref<128x128xf32, #tpu.memory_space<vmem>>) target_semaphore(%arg15 : memref<!tpu.dma_semaphore, #tpu.memory_space<semaphore_mem>>)
      %dma_wait3A = arith.constant 0 : i32
      %dma_wait3A_88 = arith.constant 0 : i32
      %dma_wait3A_89 = tpu.memref_slice %arg2[%arg0, %dma_wait3A, %dma_wait3A_88] : memref<2x10000x128xf32, #tpu.memory_space<hbm>> -> memref<1x10000x128xf32, #tpu.memory_space<hbm>>
      %dma_wait3A_90 = tpu.memref_squeeze %dma_wait3A_89 : memref<1x10000x128xf32, #tpu.memory_space<hbm>> -> memref<10000x128xf32, #tpu.memory_space<hbm>>
      %dma_wait3A_91 = arith.constant 0 : i32
      %dma_wait3A_92 = arith.constant 0 : i32
      %dma_wait3A_93 = tpu.memref_slice %dma_wait3A_90[%dma_wait3A_91, %dma_wait3A_92] : memref<10000x128xf32, #tpu.memory_space<hbm>> -> memref<10000x128xf32, #tpu.memory_space<hbm>>
      tpu.wait_indirect_dma semaphore(%arg14 : memref<!tpu.dma_semaphore, #tpu.memory_space<semaphore_mem>>) src(%dma_wait3A_93 : memref<10000x128xf32, #tpu.memory_space<hbm>>) dst(%arg10 : memref<128x128xf32, #tpu.memory_space<vmem>>)
      %dma_wait3A_94 = arith.constant 0 : i32
      %dma_wait3A_95 = tpu.memref_slice %arg3[%arg0, %add3A_75, %dma_wait3A_94] : memref<2x163840x128xf32, #tpu.memory_space<hbm>> -> memref<1x128x128xf32, #tpu.memory_space<hbm>>
      %dma_wait3A_96 = tpu.memref_squeeze %dma_wait3A_95 : memref<1x128x128xf32, #tpu.memory_space<hbm>> -> memref<128x128xf32, #tpu.memory_space<hbm>>
      %dma_wait3A_97 = arith.constant 0 : i32
      %dma_wait3A_98 = tpu.memref_slice %arg3[%arg0, %add3A_75, %dma_wait3A_97] : memref<2x163840x128xf32, #tpu.memory_space<hbm>> -> memref<1x128x128xf32, #tpu.memory_space<hbm>>
      %dma_wait3A_99 = tpu.memref_squeeze %dma_wait3A_98 : memref<1x128x128xf32, #tpu.memory_space<hbm>> -> memref<128x128xf32, #tpu.memory_space<hbm>>
      tpu.wait_dma2 semaphore(%arg15 : memref<!tpu.dma_semaphore, #tpu.memory_space<semaphore_mem>>) src(%dma_wait3A_99 : memref<128x128xf32, #tpu.memory_space<hbm>>) dst(%arg11 : memref<128x128xf32, #tpu.memory_space<vmem>>)
      %scan3A_100 = arith.constant 0 : i32
      %scan3A_101 = arith.constant 0 : i32
      %scan3A_102 = arith.constant 128 : i32
      %scan3A_103 = arith.addi %scan3A_101, %scan3A_102 : i32
      %scan3A_104 = arith.constant 1 : i32
      %scan3A_105 = scf.for %scan3A_118 = %scan3A_101 to %scan3A_103 step %scan3A_104 iter_args(%scan3A_119 = %scan3A_100) -> (i32)  : i32 {
        %get3A = arith.index_cast %scan3A_118 : i32 to index
        %get3A_120 = arith.constant 0 : index
        %get3A_121 = tpu.vector_load %arg10[%get3A, %get3A_120] {strides = array<i32>} : memref<128x128xf32, #tpu.memory_space<vmem>>, vector<1x16xf32>,
        %get3A_122 = vector.shape_cast %get3A_121 : vector<1x16xf32> to vector<16xf32>
        %get3A_123 = arith.index_cast %scan3A_118 : i32 to index
        %get3A_124 = arith.constant 0 : index
        %get3A_125 = tpu.vector_load %arg11[%get3A_123, %get3A_124] {strides = array<i32>} : memref<128x128xf32, #tpu.memory_space<vmem>>, vector<1x16xf32>,
        %get3A_126 = vector.shape_cast %get3A_125 : vector<1x16xf32> to vector<16xf32>
        %add3A_127 = arith.addf %get3A_122, %get3A_126 : vector<16xf32>
        %max3A = arith.constant 0.000000e+00 : f32
        %max3A_128 = vector.broadcast %max3A : f32 to vector<16xf32>
        %max3A_129 = arith.maximumf %add3A_127, %max3A_128 : vector<16xf32>
        %swap3A = arith.index_cast %scan3A_118 : i32 to index
        %swap3A_130 = arith.constant 0 : index
        %swap3A_131 = tpu.vector_load %arg10[%swap3A, %swap3A_130] {strides = array<i32>} : memref<128x128xf32, #tpu.memory_space<vmem>>, vector<1x16xf32>,
        %swap3A_132 = vector.shape_cast %swap3A_131 : vector<1x16xf32> to vector<16xf32>
        %swap3A_133 = vector.shape_cast %max3A_129 : vector<16xf32> to vector<1x16xf32>
        tpu.vector_store %arg10[%swap3A, %swap3A_130], %swap3A_133 {strides = array<i32>} : memref<128x128xf32, #tpu.memory_space<vmem>>, vector<1x16xf32>,
        %get3A_134 = arith.index_cast %scan3A_118 : i32 to index
        %get3A_135 = arith.constant 16 : index
        %get3A_136 = tpu.vector_load %arg10[%get3A_134, %get3A_135] {strides = array<i32>} : memref<128x128xf32, #tpu.memory_space<vmem>>, vector<1x16xf32>,
        %get3A_137 = vector.shape_cast %get3A_136 : vector<1x16xf32> to vector<16xf32>
        %get3A_138 = arith.index_cast %scan3A_118 : i32 to index
        %get3A_139 = arith.constant 16 : index
        %get3A_140 = tpu.vector_load %arg11[%get3A_138, %get3A_139] {strides = array<i32>} : memref<128x128xf32, #tpu.memory_space<vmem>>, vector<1x16xf32>,
        %get3A_141 = vector.shape_cast %get3A_140 : vector<1x16xf32> to vector<16xf32>
        %add3A_142 = arith.addf %get3A_137, %get3A_141 : vector<16xf32>
        %max3A_143 = arith.constant 0.000000e+00 : f32
        %max3A_144 = vector.broadcast %max3A_143 : f32 to vector<16xf32>
        %max3A_145 = arith.maximumf %add3A_142, %max3A_144 : vector<16xf32>
        %swap3A_146 = arith.index_cast %scan3A_118 : i32 to index
        %swap3A_147 = arith.constant 16 : index
        %swap3A_148 = tpu.vector_load %arg10[%swap3A_146, %swap3A_147] {strides = array<i32>} : memref<128x128xf32, #tpu.memory_space<vmem>>, vector<1x16xf32>,
        %swap3A_149 = vector.shape_cast %swap3A_148 : vector<1x16xf32> to vector<16xf32>
        %swap3A_150 = vector.shape_cast %max3A_145 : vector<16xf32> to vector<1x16xf32>
        tpu.vector_store %arg10[%swap3A_146, %swap3A_147], %swap3A_150 {strides = array<i32>} : memref<128x128xf32, #tpu.memory_space<vmem>>, vector<1x16xf32>,
        %get3A_151 = arith.index_cast %scan3A_118 : i32 to index
        %get3A_152 = arith.constant 32 : index
        %get3A_153 = tpu.vector_load %arg10[%get3A_151, %get3A_152] {strides = array<i32>} : memref<128x128xf32, #tpu.memory_space<vmem>>, vector<1x16xf32>,
        %get3A_154 = vector.shape_cast %get3A_153 : vector<1x16xf32> to vector<16xf32>
        %get3A_155 = arith.index_cast %scan3A_118 : i32 to index
        %get3A_156 = arith.constant 32 : index
        %get3A_157 = tpu.vector_load %arg11[%get3A_155, %get3A_156] {strides = array<i32>} : memref<128x128xf32, #tpu.memory_space<vmem>>, vector<1x16xf32>,
        %get3A_158 = vector.shape_cast %get3A_157 : vector<1x16xf32> to vector<16xf32>
        %add3A_159 = arith.addf %get3A_154, %get3A_158 : vector<16xf32>
        %max3A_160 = arith.constant 0.000000e+00 : f32
        %max3A_161 = vector.broadcast %max3A_160 : f32 to vector<16xf32>
        %max3A_162 = arith.maximumf %add3A_159, %max3A_161 : vector<16xf32>
        %swap3A_163 = arith.index_cast %scan3A_118 : i32 to index
        %swap3A_164 = arith.constant 32 : index
        %swap3A_165 = tpu.vector_load %arg10[%swap3A_163, %swap3A_164] {strides = array<i32>} : memref<128x128xf32, #tpu.memory_space<vmem>>, vector<1x16xf32>,
        %swap3A_166 = vector.shape_cast %swap3A_165 : vector<1x16xf32> to vector<16xf32>
        %swap3A_167 = vector.shape_cast %max3A_162 : vector<16xf32> to vector<1x16xf32>
        tpu.vector_store %arg10[%swap3A_163, %swap3A_164], %swap3A_167 {strides = array<i32>} : memref<128x128xf32, #tpu.memory_space<vmem>>, vector<1x16xf32>,
        %get3A_168 = arith.index_cast %scan3A_118 : i32 to index
        %get3A_169 = arith.constant 48 : index
        %get3A_170 = tpu.vector_load %arg10[%get3A_168, %get3A_169] {strides = array<i32>} : memref<128x128xf32, #tpu.memory_space<vmem>>, vector<1x16xf32>,
        %get3A_171 = vector.shape_cast %get3A_170 : vector<1x16xf32> to vector<16xf32>
        %get3A_172 = arith.index_cast %scan3A_118 : i32 to index
        %get3A_173 = arith.constant 48 : index
        %get3A_174 = tpu.vector_load %arg11[%get3A_172, %get3A_173] {strides = array<i32>} : memref<128x128xf32, #tpu.memory_space<vmem>>, vector<1x16xf32>,
        %get3A_175 = vector.shape_cast %get3A_174 : vector<1x16xf32> to vector<16xf32>
        %add3A_176 = arith.addf %get3A_171, %get3A_175 : vector<16xf32>
        %max3A_177 = arith.constant 0.000000e+00 : f32
        %max3A_178 = vector.broadcast %max3A_177 : f32 to vector<16xf32>
        %max3A_179 = arith.maximumf %add3A_176, %max3A_178 : vector<16xf32>
        %swap3A_180 = arith.index_cast %scan3A_118 : i32 to index
        %swap3A_181 = arith.constant 48 : index
        %swap3A_182 = tpu.vector_load %arg10[%swap3A_180, %swap3A_181] {strides = array<i32>} : memref<128x128xf32, #tpu.memory_space<vmem>>, vector<1x16xf32>,
        %swap3A_183 = vector.shape_cast %swap3A_182 : vector<1x16xf32> to vector<16xf32>
        %swap3A_184 = vector.shape_cast %max3A_179 : vector<16xf32> to vector<1x16xf32>
        tpu.vector_store %arg10[%swap3A_180, %swap3A_181], %swap3A_184 {strides = array<i32>} : memref<128x128xf32, #tpu.memory_space<vmem>>, vector<1x16xf32>,
        %get3A_185 = arith.index_cast %scan3A_118 : i32 to index
        %get3A_186 = arith.constant 64 : index
        %get3A_187 = tpu.vector_load %arg10[%get3A_185, %get3A_186] {strides = array<i32>} : memref<128x128xf32, #tpu.memory_space<vmem>>, vector<1x16xf32>,
        %get3A_188 = vector.shape_cast %get3A_187 : vector<1x16xf32> to vector<16xf32>
        %get3A_189 = arith.index_cast %scan3A_118 : i32 to index
        %get3A_190 = arith.constant 64 : index
        %get3A_191 = tpu.vector_load %arg11[%get3A_189, %get3A_190] {strides = array<i32>} : memref<128x128xf32, #tpu.memory_space<vmem>>, vector<1x16xf32>,
        %get3A_192 = vector.shape_cast %get3A_191 : vector<1x16xf32> to vector<16xf32>
        %add3A_193 = arith.addf %get3A_188, %get3A_192 : vector<16xf32>
        %max3A_194 = arith.constant 0.000000e+00 : f32
        %max3A_195 = vector.broadcast %max3A_194 : f32 to vector<16xf32>
        %max3A_196 = arith.maximumf %add3A_193, %max3A_195 : vector<16xf32>
        %swap3A_197 = arith.index_cast %scan3A_118 : i32 to index
        %swap3A_198 = arith.constant 64 : index
        %swap3A_199 = tpu.vector_load %arg10[%swap3A_197, %swap3A_198] {strides = array<i32>} : memref<128x128xf32, #tpu.memory_space<vmem>>, vector<1x16xf32>,
        %swap3A_200 = vector.shape_cast %swap3A_199 : vector<1x16xf32> to vector<16xf32>
        %swap3A_201 = vector.shape_cast %max3A_196 : vector<16xf32> to vector<1x16xf32>
        tpu.vector_store %arg10[%swap3A_197, %swap3A_198], %swap3A_201 {strides = array<i32>} : memref<128x128xf32, #tpu.memory_space<vmem>>, vector<1x16xf32>,
        %get3A_202 = arith.index_cast %scan3A_118 : i32 to index
        %get3A_203 = arith.constant 80 : index
        %get3A_204 = tpu.vector_load %arg10[%get3A_202, %get3A_203] {strides = array<i32>} : memref<128x128xf32, #tpu.memory_space<vmem>>, vector<1x16xf32>,
        %get3A_205 = vector.shape_cast %get3A_204 : vector<1x16xf32> to vector<16xf32>
        %get3A_206 = arith.index_cast %scan3A_118 : i32 to index
        %get3A_207 = arith.constant 80 : index
        %get3A_208 = tpu.vector_load %arg11[%get3A_206, %get3A_207] {strides = array<i32>} : memref<128x128xf32, #tpu.memory_space<vmem>>, vector<1x16xf32>,
        %get3A_209 = vector.shape_cast %get3A_208 : vector<1x16xf32> to vector<16xf32>
        %add3A_210 = arith.addf %get3A_205, %get3A_209 : vector<16xf32>
        %max3A_211 = arith.constant 0.000000e+00 : f32
        %max3A_212 = vector.broadcast %max3A_211 : f32 to vector<16xf32>
        %max3A_213 = arith.maximumf %add3A_210, %max3A_212 : vector<16xf32>
        %swap3A_214 = arith.index_cast %scan3A_118 : i32 to index
        %swap3A_215 = arith.constant 80 : index
        %swap3A_216 = tpu.vector_load %arg10[%swap3A_214, %swap3A_215] {strides = array<i32>} : memref<128x128xf32, #tpu.memory_space<vmem>>, vector<1x16xf32>,
        %swap3A_217 = vector.shape_cast %swap3A_216 : vector<1x16xf32> to vector<16xf32>
        %swap3A_218 = vector.shape_cast %max3A_213 : vector<16xf32> to vector<1x16xf32>
        tpu.vector_store %arg10[%swap3A_214, %swap3A_215], %swap3A_218 {strides = array<i32>} : memref<128x128xf32, #tpu.memory_space<vmem>>, vector<1x16xf32>,
        %get3A_219 = arith.index_cast %scan3A_118 : i32 to index
        %get3A_220 = arith.constant 96 : index
        %get3A_221 = tpu.vector_load %arg10[%get3A_219, %get3A_220] {strides = array<i32>} : memref<128x128xf32, #tpu.memory_space<vmem>>, vector<1x16xf32>,
        %get3A_222 = vector.shape_cast %get3A_221 : vector<1x16xf32> to vector<16xf32>
        %get3A_223 = arith.index_cast %scan3A_118 : i32 to index
        %get3A_224 = arith.constant 96 : index
        %get3A_225 = tpu.vector_load %arg11[%get3A_223, %get3A_224] {strides = array<i32>} : memref<128x128xf32, #tpu.memory_space<vmem>>, vector<1x16xf32>,
        %get3A_226 = vector.shape_cast %get3A_225 : vector<1x16xf32> to vector<16xf32>
        %add3A_227 = arith.addf %get3A_222, %get3A_226 : vector<16xf32>
        %max3A_228 = arith.constant 0.000000e+00 : f32
        %max3A_229 = vector.broadcast %max3A_228 : f32 to vector<16xf32>
        %max3A_230 = arith.maximumf %add3A_227, %max3A_229 : vector<16xf32>
        %swap3A_231 = arith.index_cast %scan3A_118 : i32 to index
        %swap3A_232 = arith.constant 96 : index
        %swap3A_233 = tpu.vector_load %arg10[%swap3A_231, %swap3A_232] {strides = array<i32>} : memref<128x128xf32, #tpu.memory_space<vmem>>, vector<1x16xf32>,
        %swap3A_234 = vector.shape_cast %swap3A_233 : vector<1x16xf32> to vector<16xf32>
        %swap3A_235 = vector.shape_cast %max3A_230 : vector<16xf32> to vector<1x16xf32>
        tpu.vector_store %arg10[%swap3A_231, %swap3A_232], %swap3A_235 {strides = array<i32>} : memref<128x128xf32, #tpu.memory_space<vmem>>, vector<1x16xf32>,
        %get3A_236 = arith.index_cast %scan3A_118 : i32 to index
        %get3A_237 = arith.constant 112 : index
        %get3A_238 = tpu.vector_load %arg10[%get3A_236, %get3A_237] {strides = array<i32>} : memref<128x128xf32, #tpu.memory_space<vmem>>, vector<1x16xf32>,
        %get3A_239 = vector.shape_cast %get3A_238 : vector<1x16xf32> to vector<16xf32>
        %get3A_240 = arith.index_cast %scan3A_118 : i32 to index
        %get3A_241 = arith.constant 112 : index
        %get3A_242 = tpu.vector_load %arg11[%get3A_240, %get3A_241] {strides = array<i32>} : memref<128x128xf32, #tpu.memory_space<vmem>>, vector<1x16xf32>,
        %get3A_243 = vector.shape_cast %get3A_242 : vector<1x16xf32> to vector<16xf32>
        %add3A_244 = arith.addf %get3A_239, %get3A_243 : vector<16xf32>
        %max3A_245 = arith.constant 0.000000e+00 : f32
        %max3A_246 = vector.broadcast %max3A_245 : f32 to vector<16xf32>
        %max3A_247 = arith.maximumf %add3A_244, %max3A_246 : vector<16xf32>
        %swap3A_248 = arith.index_cast %scan3A_118 : i32 to index
        %swap3A_249 = arith.constant 112 : index
        %swap3A_250 = tpu.vector_load %arg10[%swap3A_248, %swap3A_249] {strides = array<i32>} : memref<128x128xf32, #tpu.memory_space<vmem>>, vector<1x16xf32>,
        %swap3A_251 = vector.shape_cast %swap3A_250 : vector<1x16xf32> to vector<16xf32>
        %swap3A_252 = vector.shape_cast %max3A_247 : vector<16xf32> to vector<1x16xf32>
        tpu.vector_store %arg10[%swap3A_248, %swap3A_249], %swap3A_252 {strides = array<i32>} : memref<128x128xf32, #tpu.memory_space<vmem>>, vector<1x16xf32>,
        %scan3A_253 = arith.constant 0 : i32
        scf.yield %scan3A_253 : i32
      }
      %scan3A_106 = arith.constant 128 : i32
      %dma_start3A_107 = arith.constant 0 : i32
      %dma_start3A_108 = arith.constant 0 : i32
      %dma_start3A_109 = tpu.memref_slice %arg18[%dma_start3A_107, %dma_start3A_108] : memref<10112x128xf32, #tpu.memory_space<vmem_shared>> -> memref<10112x128xf32, #tpu.memory_space<vmem_shared>>
      tpu.enqueue_indirect_dma source(%arg10 : memref<128x128xf32, #tpu.memory_space<vmem>>) target(%dma_start3A_109 : memref<10112x128xf32, #tpu.memory_space<vmem_shared>>) offsets(%arg9 : memref<128xi32, #tpu.memory_space<vmem>>) semaphore(%arg16 : memref<!tpu.dma_semaphore, #tpu.memory_space<semaphore_mem>>) {add = true}
      %dma_start3A_110 = arith.constant 0 : i32
      %dma_start3A_111 = tpu.memref_slice %arg19[%dma_start3A_110] : memref<10112xf32, #tpu.memory_space<vmem_shared>> -> memref<10112xf32, #tpu.memory_space<vmem_shared>>
      tpu.enqueue_indirect_dma source(%arg12 : memref<128xf32, #tpu.memory_space<vmem>>) target(%dma_start3A_111 : memref<10112xf32, #tpu.memory_space<vmem_shared>>) offsets(%arg9 : memref<128xi32, #tpu.memory_space<vmem>>) semaphore(%arg17 : memref<!tpu.dma_semaphore, #tpu.memory_space<semaphore_mem>>) {add = true}
      %dma_wait3A_112 = arith.constant 0 : i32
      %dma_wait3A_113 = arith.constant 0 : i32
      %dma_wait3A_114 = tpu.memref_slice %arg18[%dma_wait3A_112, %dma_wait3A_113] : memref<10112x128xf32, #tpu.memory_space<vmem_shared>> -> memref<10112x128xf32, #tpu.memory_space<vmem_shared>>
      tpu.wait_indirect_dma semaphore(%arg16 : memref<!tpu.dma_semaphore, #tpu.memory_space<semaphore_mem>>) src(%arg10 : memref<128x128xf32, #tpu.memory_space<vmem>>) dst(%dma_wait3A_114 : memref<10112x128xf32, #tpu.memory_space<vmem_shared>>)
      %dma_wait3A_115 = arith.constant 0 : i32
      %dma_wait3A_116 = tpu.memref_slice %arg19[%dma_wait3A_115] : memref<10112xf32, #tpu.memory_space<vmem_shared>> -> memref<10112xf32, #tpu.memory_space<vmem_shared>>
      tpu.wait_indirect_dma semaphore(%arg17 : memref<!tpu.dma_semaphore, #tpu.memory_space<semaphore_mem>>) src(%arg12 : memref<128xf32, #tpu.memory_space<vmem>>) dst(%dma_wait3A_116 : memref<10112xf32, #tpu.memory_space<vmem_shared>>)
      %while3A_117 = arith.constant 0 : i32
      scf.yield %while3A_117 : i32
    }
    %while3A_44 = arith.constant 1 : i32
    %while3A_45 = scf.for %while3A_61 = %while3A_41 to %while3A_37 step %while3A_44 iter_args(%while3A_62 = %while3A_43) -> (i32)  : i32 {
      %scan3A_63 = arith.constant 0 : i32
      %scan3A_64 = arith.constant 0 : i32
      %scan3A_65 = arith.constant 8 : i32
      %scan3A_66 = arith.addi %scan3A_64, %scan3A_65 : i32
      %scan3A_67 = arith.constant 1 : i32
      %scan3A_68 = scf.for %scan3A_118 = %scan3A_64 to %scan3A_66 step %scan3A_67 iter_args(%scan3A_119 = %scan3A_63) -> (i32)  : i32 {
        %mul3A_120 = arith.constant 16 : i32
        %mul3A_121 = arith.muli %scan3A_118, %mul3A_120 : i32
        %get3A = arith.index_cast %while3A_61 : i32 to index
        %get3A_122 = arith.index_cast %mul3A_121 : i32 to index
        %get3A_123 = tpu.vector_load %arg7[%get3A, %get3A_122] {strides = array<i32>} : memref<80x128xi32, #tpu.memory_space<vmem>>, vector<1x16xi32>,
        %get3A_124 = vector.shape_cast %get3A_123 : vector<1x16xi32> to vector<16xi32>
        %and3A = arith.constant 16383 : i32
        %and3A_125 = vector.broadcast %and3A : i32 to vector<16xi32>
        %and3A_126 = arith.andi %get3A_124, %and3A_125 : vector<16xi32>
        %swap3A = arith.index_cast %mul3A_121 : i32 to index
        %swap3A_127 = tpu.vector_load %arg8[%swap3A] {strides = array<i32>} : memref<128xi32, #tpu.memory_space<vmem>>, vector<16xi32>,
        %swap3A_128 = vector.shape_cast %swap3A_127 : vector<16xi32> to vector<16xi32>
        %swap3A_129 = vector.shape_cast %and3A_126 : vector<16xi32> to vector<16xi32>
        tpu.vector_store %arg8[%swap3A], %swap3A_129 {strides = array<i32>} : memref<128xi32, #tpu.memory_space<vmem>>, vector<16xi32>,
        %shift_right_arithmetic3A = arith.constant 14 : i32
        %shift_right_arithmetic3A_130 = vector.broadcast %shift_right_arithmetic3A : i32 to vector<16xi32>
        %shift_right_arithmetic3A_131 = arith.shrsi %get3A_124, %shift_right_arithmetic3A_130 : vector<16xi32>
        %swap3A_132 = arith.index_cast %mul3A_121 : i32 to index
        %swap3A_133 = tpu.vector_load %arg9[%swap3A_132] {strides = array<i32>} : memref<128xi32, #tpu.memory_space<vmem>>, vector<16xi32>,
        %swap3A_134 = vector.shape_cast %swap3A_133 : vector<16xi32> to vector<16xi32>
        %swap3A_135 = vector.shape_cast %shift_right_arithmetic3A_131 : vector<16xi32> to vector<16xi32>
        tpu.vector_store %arg9[%swap3A_132], %swap3A_135 {strides = array<i32>} : memref<128xi32, #tpu.memory_space<vmem>>, vector<16xi32>,
        %scan3A_136 = arith.constant 0 : i32
        scf.yield %scan3A_136 : i32
      }
      %scan3A_69 = arith.constant 8 : i32
      %mul3A_70 = arith.constant 10240 : i32
      %mul3A_71 = arith.muli %arg1, %mul3A_70 : i32
      %multiple_of3A_72 = tpu.assume_multiple %mul3A_71, 128 : i32
      %mul3A_73 = arith.constant 128 : i32
      %mul3A_74 = arith.muli %while3A_61, %mul3A_73 : i32
      %add3A_75 = arith.addi %multiple_of3A_72, %mul3A_74 : i32
      %dma_start3A = arith.constant 0 : i32
      %dma_start3A_76 = arith.constant 0 : i32
      %dma_start3A_77 = tpu.memref_slice %arg2[%arg0, %dma_start3A, %dma_start3A_76] : memref<2x10000x128xf32, #tpu.memory_space<hbm>> -> memref<1x10000x128xf32, #tpu.memory_space<hbm>>
      %dma_start3A_78 = tpu.memref_squeeze %dma_start3A_77 : memref<1x10000x128xf32, #tpu.memory_space<hbm>> -> memref<10000x128xf32, #tpu.memory_space<hbm>>
      %dma_start3A_79 = arith.constant 0 : i32
      %dma_start3A_80 = arith.constant 0 : i32
      %dma_start3A_81 = tpu.memref_slice %dma_start3A_78[%dma_start3A_79, %dma_start3A_80] : memref<10000x128xf32, #tpu.memory_space<hbm>> -> memref<10000x128xf32, #tpu.memory_space<hbm>>
      tpu.enqueue_indirect_dma source(%dma_start3A_81 : memref<10000x128xf32, #tpu.memory_space<hbm>>) target(%arg10 : memref<128x128xf32, #tpu.memory_space<vmem>>) offsets(%arg8 : memref<128xi32, #tpu.memory_space<vmem>>) semaphore(%arg14 : memref<!tpu.dma_semaphore, #tpu.memory_space<semaphore_mem>>)
      %dma_start3A_82 = arith.constant 0 : i32
      %dma_start3A_83 = tpu.memref_slice %arg3[%arg0, %add3A_75, %dma_start3A_82] : memref<2x163840x128xf32, #tpu.memory_space<hbm>> -> memref<1x128x128xf32, #tpu.memory_space<hbm>>
      %dma_start3A_84 = tpu.memref_squeeze %dma_start3A_83 : memref<1x128x128xf32, #tpu.memory_space<hbm>> -> memref<128x128xf32, #tpu.memory_space<hbm>>
      %dma_start3A_85 = arith.constant 0 : i32
      %dma_start3A_86 = tpu.memref_slice %arg3[%arg0, %add3A_75, %dma_start3A_85] : memref<2x163840x128xf32, #tpu.memory_space<hbm>> -> memref<1x128x128xf32, #tpu.memory_space<hbm>>
      %dma_start3A_87 = tpu.memref_squeeze %dma_start3A_86 : memref<1x128x128xf32, #tpu.memory_space<hbm>> -> memref<128x128xf32, #tpu.memory_space<hbm>>
      tpu.enqueue_dma source(%dma_start3A_87 : memref<128x128xf32, #tpu.memory_space<hbm>>) target(%arg11 : memref<128x128xf32, #tpu.memory_space<vmem>>) target_semaphore(%arg15 : memref<!tpu.dma_semaphore, #tpu.memory_space<semaphore_mem>>)
      %dma_wait3A = arith.constant 0 : i32
      %dma_wait3A_88 = arith.constant 0 : i32
      %dma_wait3A_89 = tpu.memref_slice %arg2[%arg0, %dma_wait3A, %dma_wait3A_88] : memref<2x10000x128xf32, #tpu.memory_space<hbm>> -> memref<1x10000x128xf32, #tpu.memory_space<hbm>>
      %dma_wait3A_90 = tpu.memref_squeeze %dma_wait3A_89 : memref<1x10000x128xf32, #tpu.memory_space<hbm>> -> memref<10000x128xf32, #tpu.memory_space<hbm>>
      %dma_wait3A_91 = arith.constant 0 : i32
      %dma_wait3A_92 = arith.constant 0 : i32
      %dma_wait3A_93 = tpu.memref_slice %dma_wait3A_90[%dma_wait3A_91, %dma_wait3A_92] : memref<10000x128xf32, #tpu.memory_space<hbm>> -> memref<10000x128xf32, #tpu.memory_space<hbm>>
      tpu.wait_indirect_dma semaphore(%arg14 : memref<!tpu.dma_semaphore, #tpu.memory_space<semaphore_mem>>) src(%dma_wait3A_93 : memref<10000x128xf32, #tpu.memory_space<hbm>>) dst(%arg10 : memref<128x128xf32, #tpu.memory_space<vmem>>)
      %dma_wait3A_94 = arith.constant 0 : i32
      %dma_wait3A_95 = tpu.memref_slice %arg3[%arg0, %add3A_75, %dma_wait3A_94] : memref<2x163840x128xf32, #tpu.memory_space<hbm>> -> memref<1x128x128xf32, #tpu.memory_space<hbm>>
      %dma_wait3A_96 = tpu.memref_squeeze %dma_wait3A_95 : memref<1x128x128xf32, #tpu.memory_space<hbm>> -> memref<128x128xf32, #tpu.memory_space<hbm>>
      %dma_wait3A_97 = arith.constant 0 : i32
      %dma_wait3A_98 = tpu.memref_slice %arg3[%arg0, %add3A_75, %dma_wait3A_97] : memref<2x163840x128xf32, #tpu.memory_space<hbm>> -> memref<1x128x128xf32, #tpu.memory_space<hbm>>
      %dma_wait3A_99 = tpu.memref_squeeze %dma_wait3A_98 : memref<1x128x128xf32, #tpu.memory_space<hbm>> -> memref<128x128xf32, #tpu.memory_space<hbm>>
      tpu.wait_dma2 semaphore(%arg15 : memref<!tpu.dma_semaphore, #tpu.memory_space<semaphore_mem>>) src(%dma_wait3A_99 : memref<128x128xf32, #tpu.memory_space<hbm>>) dst(%arg11 : memref<128x128xf32, #tpu.memory_space<vmem>>)
      %scan3A_100 = arith.constant 0 : i32
      %scan3A_101 = arith.constant 0 : i32
      %scan3A_102 = arith.constant 128 : i32
      %scan3A_103 = arith.addi %scan3A_101, %scan3A_102 : i32
      %scan3A_104 = arith.constant 1 : i32
      %scan3A_105 = scf.for %scan3A_118 = %scan3A_101 to %scan3A_103 step %scan3A_104 iter_args(%scan3A_119 = %scan3A_100) -> (i32)  : i32 {
        %get3A = arith.index_cast %scan3A_118 : i32 to index
        %get3A_120 = arith.constant 0 : index
        %get3A_121 = tpu.vector_load %arg10[%get3A, %get3A_120] {strides = array<i32>} : memref<128x128xf32, #tpu.memory_space<vmem>>, vector<1x16xf32>,
        %get3A_122 = vector.shape_cast %get3A_121 : vector<1x16xf32> to vector<16xf32>
        %get3A_123 = arith.index_cast %scan3A_118 : i32 to index
        %get3A_124 = arith.constant 0 : index
        %get3A_125 = tpu.vector_load %arg11[%get3A_123, %get3A_124] {strides = array<i32>} : memref<128x128xf32, #tpu.memory_space<vmem>>, vector<1x16xf32>,
        %get3A_126 = vector.shape_cast %get3A_125 : vector<1x16xf32> to vector<16xf32>
        %add3A_127 = arith.addf %get3A_122, %get3A_126 : vector<16xf32>
        %max3A = arith.constant 0.000000e+00 : f32
        %max3A_128 = vector.broadcast %max3A : f32 to vector<16xf32>
        %max3A_129 = arith.maximumf %add3A_127, %max3A_128 : vector<16xf32>
        %swap3A = arith.index_cast %scan3A_118 : i32 to index
        %swap3A_130 = arith.constant 0 : index
        %swap3A_131 = tpu.vector_load %arg10[%swap3A, %swap3A_130] {strides = array<i32>} : memref<128x128xf32, #tpu.memory_space<vmem>>, vector<1x16xf32>,
        %swap3A_132 = vector.shape_cast %swap3A_131 : vector<1x16xf32> to vector<16xf32>
        %swap3A_133 = vector.shape_cast %max3A_129 : vector<16xf32> to vector<1x16xf32>
        tpu.vector_store %arg10[%swap3A, %swap3A_130], %swap3A_133 {strides = array<i32>} : memref<128x128xf32, #tpu.memory_space<vmem>>, vector<1x16xf32>,
        %get3A_134 = arith.index_cast %scan3A_118 : i32 to index
        %get3A_135 = arith.constant 16 : index
        %get3A_136 = tpu.vector_load %arg10[%get3A_134, %get3A_135] {strides = array<i32>} : memref<128x128xf32, #tpu.memory_space<vmem>>, vector<1x16xf32>,
        %get3A_137 = vector.shape_cast %get3A_136 : vector<1x16xf32> to vector<16xf32>
        %get3A_138 = arith.index_cast %scan3A_118 : i32 to index
        %get3A_139 = arith.constant 16 : index
        %get3A_140 = tpu.vector_load %arg11[%get3A_138, %get3A_139] {strides = array<i32>} : memref<128x128xf32, #tpu.memory_space<vmem>>, vector<1x16xf32>,
        %get3A_141 = vector.shape_cast %get3A_140 : vector<1x16xf32> to vector<16xf32>
        %add3A_142 = arith.addf %get3A_137, %get3A_141 : vector<16xf32>
        %max3A_143 = arith.constant 0.000000e+00 : f32
        %max3A_144 = vector.broadcast %max3A_143 : f32 to vector<16xf32>
        %max3A_145 = arith.maximumf %add3A_142, %max3A_144 : vector<16xf32>
        %swap3A_146 = arith.index_cast %scan3A_118 : i32 to index
        %swap3A_147 = arith.constant 16 : index
        %swap3A_148 = tpu.vector_load %arg10[%swap3A_146, %swap3A_147] {strides = array<i32>} : memref<128x128xf32, #tpu.memory_space<vmem>>, vector<1x16xf32>,
        %swap3A_149 = vector.shape_cast %swap3A_148 : vector<1x16xf32> to vector<16xf32>
        %swap3A_150 = vector.shape_cast %max3A_145 : vector<16xf32> to vector<1x16xf32>
        tpu.vector_store %arg10[%swap3A_146, %swap3A_147], %swap3A_150 {strides = array<i32>} : memref<128x128xf32, #tpu.memory_space<vmem>>, vector<1x16xf32>,
        %get3A_151 = arith.index_cast %scan3A_118 : i32 to index
        %get3A_152 = arith.constant 32 : index
        %get3A_153 = tpu.vector_load %arg10[%get3A_151, %get3A_152] {strides = array<i32>} : memref<128x128xf32, #tpu.memory_space<vmem>>, vector<1x16xf32>,
        %get3A_154 = vector.shape_cast %get3A_153 : vector<1x16xf32> to vector<16xf32>
        %get3A_155 = arith.index_cast %scan3A_118 : i32 to index
        %get3A_156 = arith.constant 32 : index
        %get3A_157 = tpu.vector_load %arg11[%get3A_155, %get3A_156] {strides = array<i32>} : memref<128x128xf32, #tpu.memory_space<vmem>>, vector<1x16xf32>,
        %get3A_158 = vector.shape_cast %get3A_157 : vector<1x16xf32> to vector<16xf32>
        %add3A_159 = arith.addf %get3A_154, %get3A_158 : vector<16xf32>
        %max3A_160 = arith.constant 0.000000e+00 : f32
        %max3A_161 = vector.broadcast %max3A_160 : f32 to vector<16xf32>
        %max3A_162 = arith.maximumf %add3A_159, %max3A_161 : vector<16xf32>
        %swap3A_163 = arith.index_cast %scan3A_118 : i32 to index
        %swap3A_164 = arith.constant 32 : index
        %swap3A_165 = tpu.vector_load %arg10[%swap3A_163, %swap3A_164] {strides = array<i32>} : memref<128x128xf32, #tpu.memory_space<vmem>>, vector<1x16xf32>,
        %swap3A_166 = vector.shape_cast %swap3A_165 : vector<1x16xf32> to vector<16xf32>
        %swap3A_167 = vector.shape_cast %max3A_162 : vector<16xf32> to vector<1x16xf32>
        tpu.vector_store %arg10[%swap3A_163, %swap3A_164], %swap3A_167 {strides = array<i32>} : memref<128x128xf32, #tpu.memory_space<vmem>>, vector<1x16xf32>,
        %get3A_168 = arith.index_cast %scan3A_118 : i32 to index
        %get3A_169 = arith.constant 48 : index
        %get3A_170 = tpu.vector_load %arg10[%get3A_168, %get3A_169] {strides = array<i32>} : memref<128x128xf32, #tpu.memory_space<vmem>>, vector<1x16xf32>,
        %get3A_171 = vector.shape_cast %get3A_170 : vector<1x16xf32> to vector<16xf32>
        %get3A_172 = arith.index_cast %scan3A_118 : i32 to index
        %get3A_173 = arith.constant 48 : index
        %get3A_174 = tpu.vector_load %arg11[%get3A_172, %get3A_173] {strides = array<i32>} : memref<128x128xf32, #tpu.memory_space<vmem>>, vector<1x16xf32>,
        %get3A_175 = vector.shape_cast %get3A_174 : vector<1x16xf32> to vector<16xf32>
        %add3A_176 = arith.addf %get3A_171, %get3A_175 : vector<16xf32>
        %max3A_177 = arith.constant 0.000000e+00 : f32
        %max3A_178 = vector.broadcast %max3A_177 : f32 to vector<16xf32>
        %max3A_179 = arith.maximumf %add3A_176, %max3A_178 : vector<16xf32>
        %swap3A_180 = arith.index_cast %scan3A_118 : i32 to index
        %swap3A_181 = arith.constant 48 : index
        %swap3A_182 = tpu.vector_load %arg10[%swap3A_180, %swap3A_181] {strides = array<i32>} : memref<128x128xf32, #tpu.memory_space<vmem>>, vector<1x16xf32>,
        %swap3A_183 = vector.shape_cast %swap3A_182 : vector<1x16xf32> to vector<16xf32>
        %swap3A_184 = vector.shape_cast %max3A_179 : vector<16xf32> to vector<1x16xf32>
        tpu.vector_store %arg10[%swap3A_180, %swap3A_181], %swap3A_184 {strides = array<i32>} : memref<128x128xf32, #tpu.memory_space<vmem>>, vector<1x16xf32>,
        %get3A_185 = arith.index_cast %scan3A_118 : i32 to index
        %get3A_186 = arith.constant 64 : index
        %get3A_187 = tpu.vector_load %arg10[%get3A_185, %get3A_186] {strides = array<i32>} : memref<128x128xf32, #tpu.memory_space<vmem>>, vector<1x16xf32>,
        %get3A_188 = vector.shape_cast %get3A_187 : vector<1x16xf32> to vector<16xf32>
        %get3A_189 = arith.index_cast %scan3A_118 : i32 to index
        %get3A_190 = arith.constant 64 : index
        %get3A_191 = tpu.vector_load %arg11[%get3A_189, %get3A_190] {strides = array<i32>} : memref<128x128xf32, #tpu.memory_space<vmem>>, vector<1x16xf32>,
        %get3A_192 = vector.shape_cast %get3A_191 : vector<1x16xf32> to vector<16xf32>
        %add3A_193 = arith.addf %get3A_188, %get3A_192 : vector<16xf32>
        %max3A_194 = arith.constant 0.000000e+00 : f32
        %max3A_195 = vector.broadcast %max3A_194 : f32 to vector<16xf32>
        %max3A_196 = arith.maximumf %add3A_193, %max3A_195 : vector<16xf32>
        %swap3A_197 = arith.index_cast %scan3A_118 : i32 to index
        %swap3A_198 = arith.constant 64 : index
        %swap3A_199 = tpu.vector_load %arg10[%swap3A_197, %swap3A_198] {strides = array<i32>} : memref<128x128xf32, #tpu.memory_space<vmem>>, vector<1x16xf32>,
        %swap3A_200 = vector.shape_cast %swap3A_199 : vector<1x16xf32> to vector<16xf32>
        %swap3A_201 = vector.shape_cast %max3A_196 : vector<16xf32> to vector<1x16xf32>
        tpu.vector_store %arg10[%swap3A_197, %swap3A_198], %swap3A_201 {strides = array<i32>} : memref<128x128xf32, #tpu.memory_space<vmem>>, vector<1x16xf32>,
        %get3A_202 = arith.index_cast %scan3A_118 : i32 to index
        %get3A_203 = arith.constant 80 : index
        %get3A_204 = tpu.vector_load %arg10[%get3A_202, %get3A_203] {strides = array<i32>} : memref<128x128xf32, #tpu.memory_space<vmem>>, vector<1x16xf32>,
        %get3A_205 = vector.shape_cast %get3A_204 : vector<1x16xf32> to vector<16xf32>
        %get3A_206 = arith.index_cast %scan3A_118 : i32 to index
        %get3A_207 = arith.constant 80 : index
        %get3A_208 = tpu.vector_load %arg11[%get3A_206, %get3A_207] {strides = array<i32>} : memref<128x128xf32, #tpu.memory_space<vmem>>, vector<1x16xf32>,
        %get3A_209 = vector.shape_cast %get3A_208 : vector<1x16xf32> to vector<16xf32>
        %add3A_210 = arith.addf %get3A_205, %get3A_209 : vector<16xf32>
        %max3A_211 = arith.constant 0.000000e+00 : f32
        %max3A_212 = vector.broadcast %max3A_211 : f32 to vector<16xf32>
        %max3A_213 = arith.maximumf %add3A_210, %max3A_212 : vector<16xf32>
        %swap3A_214 = arith.index_cast %scan3A_118 : i32 to index
        %swap3A_215 = arith.constant 80 : index
        %swap3A_216 = tpu.vector_load %arg10[%swap3A_214, %swap3A_215] {strides = array<i32>} : memref<128x128xf32, #tpu.memory_space<vmem>>, vector<1x16xf32>,
        %swap3A_217 = vector.shape_cast %swap3A_216 : vector<1x16xf32> to vector<16xf32>
        %swap3A_218 = vector.shape_cast %max3A_213 : vector<16xf32> to vector<1x16xf32>
        tpu.vector_store %arg10[%swap3A_214, %swap3A_215], %swap3A_218 {strides = array<i32>} : memref<128x128xf32, #tpu.memory_space<vmem>>, vector<1x16xf32>,
        %get3A_219 = arith.index_cast %scan3A_118 : i32 to index
        %get3A_220 = arith.constant 96 : index
        %get3A_221 = tpu.vector_load %arg10[%get3A_219, %get3A_220] {strides = array<i32>} : memref<128x128xf32, #tpu.memory_space<vmem>>, vector<1x16xf32>,
        %get3A_222 = vector.shape_cast %get3A_221 : vector<1x16xf32> to vector<16xf32>
        %get3A_223 = arith.index_cast %scan3A_118 : i32 to index
        %get3A_224 = arith.constant 96 : index
        %get3A_225 = tpu.vector_load %arg11[%get3A_223, %get3A_224] {strides = array<i32>} : memref<128x128xf32, #tpu.memory_space<vmem>>, vector<1x16xf32>,
        %get3A_226 = vector.shape_cast %get3A_225 : vector<1x16xf32> to vector<16xf32>
        %add3A_227 = arith.addf %get3A_222, %get3A_226 : vector<16xf32>
        %max3A_228 = arith.constant 0.000000e+00 : f32
        %max3A_229 = vector.broadcast %max3A_228 : f32 to vector<16xf32>
        %max3A_230 = arith.maximumf %add3A_227, %max3A_229 : vector<16xf32>
        %swap3A_231 = arith.index_cast %scan3A_118 : i32 to index
        %swap3A_232 = arith.constant 96 : index
        %swap3A_233 = tpu.vector_load %arg10[%swap3A_231, %swap3A_232] {strides = array<i32>} : memref<128x128xf32, #tpu.memory_space<vmem>>, vector<1x16xf32>,
        %swap3A_234 = vector.shape_cast %swap3A_233 : vector<1x16xf32> to vector<16xf32>
        %swap3A_235 = vector.shape_cast %max3A_230 : vector<16xf32> to vector<1x16xf32>
        tpu.vector_store %arg10[%swap3A_231, %swap3A_232], %swap3A_235 {strides = array<i32>} : memref<128x128xf32, #tpu.memory_space<vmem>>, vector<1x16xf32>,
        %get3A_236 = arith.index_cast %scan3A_118 : i32 to index
        %get3A_237 = arith.constant 112 : index
        %get3A_238 = tpu.vector_load %arg10[%get3A_236, %get3A_237] {strides = array<i32>} : memref<128x128xf32, #tpu.memory_space<vmem>>, vector<1x16xf32>,
        %get3A_239 = vector.shape_cast %get3A_238 : vector<1x16xf32> to vector<16xf32>
        %get3A_240 = arith.index_cast %scan3A_118 : i32 to index
        %get3A_241 = arith.constant 112 : index
        %get3A_242 = tpu.vector_load %arg11[%get3A_240, %get3A_241] {strides = array<i32>} : memref<128x128xf32, #tpu.memory_space<vmem>>, vector<1x16xf32>,
        %get3A_243 = vector.shape_cast %get3A_242 : vector<1x16xf32> to vector<16xf32>
        %add3A_244 = arith.addf %get3A_239, %get3A_243 : vector<16xf32>
        %max3A_245 = arith.constant 0.000000e+00 : f32
        %max3A_246 = vector.broadcast %max3A_245 : f32 to vector<16xf32>
        %max3A_247 = arith.maximumf %add3A_244, %max3A_246 : vector<16xf32>
        %swap3A_248 = arith.index_cast %scan3A_118 : i32 to index
        %swap3A_249 = arith.constant 112 : index
        %swap3A_250 = tpu.vector_load %arg10[%swap3A_248, %swap3A_249] {strides = array<i32>} : memref<128x128xf32, #tpu.memory_space<vmem>>, vector<1x16xf32>,
        %swap3A_251 = vector.shape_cast %swap3A_250 : vector<1x16xf32> to vector<16xf32>
        %swap3A_252 = vector.shape_cast %max3A_247 : vector<16xf32> to vector<1x16xf32>
        tpu.vector_store %arg10[%swap3A_248, %swap3A_249], %swap3A_252 {strides = array<i32>} : memref<128x128xf32, #tpu.memory_space<vmem>>, vector<1x16xf32>,
        %scan3A_253 = arith.constant 0 : i32
        scf.yield %scan3A_253 : i32
      }
      %scan3A_106 = arith.constant 128 : i32
      %dma_start3A_107 = arith.constant 0 : i32
      %dma_start3A_108 = arith.constant 0 : i32
      %dma_start3A_109 = tpu.memref_slice %arg18[%dma_start3A_107, %dma_start3A_108] : memref<10112x128xf32, #tpu.memory_space<vmem_shared>> -> memref<10112x128xf32, #tpu.memory_space<vmem_shared>>
      tpu.enqueue_indirect_dma source(%arg10 : memref<128x128xf32, #tpu.memory_space<vmem>>) target(%dma_start3A_109 : memref<10112x128xf32, #tpu.memory_space<vmem_shared>>) offsets(%arg9 : memref<128xi32, #tpu.memory_space<vmem>>) semaphore(%arg16 : memref<!tpu.dma_semaphore, #tpu.memory_space<semaphore_mem>>) {add = true}
      %dma_start3A_110 = arith.constant 0 : i32
      %dma_start3A_111 = tpu.memref_slice %arg19[%dma_start3A_110] : memref<10112xf32, #tpu.memory_space<vmem_shared>> -> memref<10112xf32, #tpu.memory_space<vmem_shared>>
      tpu.enqueue_indirect_dma source(%arg12 : memref<128xf32, #tpu.memory_space<vmem>>) target(%dma_start3A_111 : memref<10112xf32, #tpu.memory_space<vmem_shared>>) offsets(%arg9 : memref<128xi32, #tpu.memory_space<vmem>>) semaphore(%arg17 : memref<!tpu.dma_semaphore, #tpu.memory_space<semaphore_mem>>) {add = true}
      %dma_wait3A_112 = arith.constant 0 : i32
      %dma_wait3A_113 = arith.constant 0 : i32
      %dma_wait3A_114 = tpu.memref_slice %arg18[%dma_wait3A_112, %dma_wait3A_113] : memref<10112x128xf32, #tpu.memory_space<vmem_shared>> -> memref<10112x128xf32, #tpu.memory_space<vmem_shared>>
      tpu.wait_indirect_dma semaphore(%arg16 : memref<!tpu.dma_semaphore, #tpu.memory_space<semaphore_mem>>) src(%arg10 : memref<128x128xf32, #tpu.memory_space<vmem>>) dst(%dma_wait3A_114 : memref<10112x128xf32, #tpu.memory_space<vmem_shared>>)
      %dma_wait3A_115 = arith.constant 0 : i32
      %dma_wait3A_116 = tpu.memref_slice %arg19[%dma_wait3A_115] : memref<10112xf32, #tpu.memory_space<vmem_shared>> -> memref<10112xf32, #tpu.memory_space<vmem_shared>>
      tpu.wait_indirect_dma semaphore(%arg17 : memref<!tpu.dma_semaphore, #tpu.memory_space<semaphore_mem>>) src(%arg12 : memref<128xf32, #tpu.memory_space<vmem>>) dst(%dma_wait3A_116 : memref<10112xf32, #tpu.memory_space<vmem_shared>>)
      %while3A_117 = arith.constant 0 : i32
      scf.yield %while3A_117 : i32
    }
    %barrier3A_46 = arith.constant 0 : index
    tpu.barrier barrier_id(%barrier3A_46)
    %scan3A_47 = arith.constant 0 : i32
    %scan3A_48 = arith.constant 0 : i32
    %scan3A_49 = arith.constant 4 : i32
    %scan3A_50 = arith.addi %scan3A_48, %scan3A_49 : i32
    %scan3A_51 = arith.constant 1 : i32
    %scan3A_52 = scf.for %scan3A_61 = %scan3A_48 to %scan3A_50 step %scan3A_51 iter_args(%scan3A_62 = %scan3A_47) -> (i32)  : i32 {
      %mul3A_63 = arith.constant 128 : i32
      %mul3A_64 = arith.muli %scan3A_61, %mul3A_63 : i32
      %add3A_65 = arith.addi %multiple_of3A, %mul3A_64 : i32
      %mul3A_66 = arith.constant 128 : i32
      %mul3A_67 = arith.muli %scan3A_61, %mul3A_66 : i32
      %add3A_68 = arith.addi %multiple_of3A, %mul3A_67 : i32
      "tpu.region"() ({
        %run_scoped3A = tpu.sem_alloc : memref<!tpu.dma_semaphore, #tpu.memory_space<semaphore_mem>>
        %dma_start3A = arith.constant 0 : i32
        %dma_start3A_70 = tpu.memref_slice %arg5[%arg0, %add3A_68, %dma_start3A] : memref<2x10112x128xf32, #tpu.memory_space<hbm>> -> memref<1x128x128xf32, #tpu.memory_space<hbm>>
        %dma_start3A_71 = tpu.memref_squeeze %dma_start3A_70 : memref<1x128x128xf32, #tpu.memory_space<hbm>> -> memref<128x128xf32, #tpu.memory_space<hbm>>
        %dma_start3A_72 = arith.constant 0 : i32
        %dma_start3A_73 = tpu.memref_slice %arg18[%add3A_65, %dma_start3A_72] : memref<10112x128xf32, #tpu.memory_space<vmem_shared>> -> memref<128x128xf32, #tpu.memory_space<vmem_shared>>
        tpu.enqueue_dma source(%dma_start3A_73 : memref<128x128xf32, #tpu.memory_space<vmem_shared>>) target(%dma_start3A_71 : memref<128x128xf32, #tpu.memory_space<hbm>>) target_semaphore(%run_scoped3A : memref<!tpu.dma_semaphore, #tpu.memory_space<semaphore_mem>>)
        %dma_wait3A = arith.constant 0 : i32
        %dma_wait3A_74 = tpu.memref_slice %arg5[%arg0, %add3A_68, %dma_wait3A] : memref<2x10112x128xf32, #tpu.memory_space<hbm>> -> memref<1x128x128xf32, #tpu.memory_space<hbm>>
        %dma_wait3A_75 = tpu.memref_squeeze %dma_wait3A_74 : memref<1x128x128xf32, #tpu.memory_space<hbm>> -> memref<128x128xf32, #tpu.memory_space<hbm>>
        %dma_wait3A_76 = arith.constant 0 : i32
        %dma_wait3A_77 = tpu.memref_slice %arg18[%add3A_65, %dma_wait3A_76] : memref<10112x128xf32, #tpu.memory_space<vmem_shared>> -> memref<128x128xf32, #tpu.memory_space<vmem_shared>>
        tpu.wait_dma2 semaphore(%run_scoped3A : memref<!tpu.dma_semaphore, #tpu.memory_space<semaphore_mem>>) src(%dma_wait3A_77 : memref<128x128xf32, #tpu.memory_space<vmem_shared>>) dst(%dma_wait3A_75 : memref<128x128xf32, #tpu.memory_space<hbm>>)
        tpu.yield
      }) : () -> ()
      %scan3A_69 = arith.constant 0 : i32
      scf.yield %scan3A_69 : i32
    }
    %scan3A_53 = arith.constant 4 : i32
    %add3A_54 = arith.constant 512 : i32
    %add3A_55 = arith.addi %multiple_of3A, %add3A_54 : i32
    %add3A_56 = arith.constant 512 : i32
    %add3A_57 = arith.addi %multiple_of3A, %add3A_56 : i32
    "tpu.region"() ({
      %run_scoped3A = tpu.sem_alloc : memref<!tpu.dma_semaphore, #tpu.memory_space<semaphore_mem>>
      %dma_start3A = arith.constant 0 : i32
      %dma_start3A_61 = tpu.memref_slice %arg5[%arg0, %add3A_57, %dma_start3A] : memref<2x10112x128xf32, #tpu.memory_space<hbm>> -> memref<1x120x128xf32, #tpu.memory_space<hbm>>
      %dma_start3A_62 = tpu.memref_squeeze %dma_start3A_61 : memref<1x120x128xf32, #tpu.memory_space<hbm>> -> memref<120x128xf32, #tpu.memory_space<hbm>>
      %dma_start3A_63 = arith.constant 0 : i32
      %dma_start3A_64 = tpu.memref_slice %arg18[%add3A_55, %dma_start3A_63] : memref<10112x128xf32, #tpu.memory_space<vmem_shared>> -> memref<120x128xf32, #tpu.memory_space<vmem_shared>>
      tpu.enqueue_dma source(%dma_start3A_64 : memref<120x128xf32, #tpu.memory_space<vmem_shared>>) target(%dma_start3A_62 : memref<120x128xf32, #tpu.memory_space<hbm>>) target_semaphore(%run_scoped3A : memref<!tpu.dma_semaphore, #tpu.memory_space<semaphore_mem>>)
      %dma_wait3A = arith.constant 0 : i32
      %dma_wait3A_65 = tpu.memref_slice %arg5[%arg0, %add3A_57, %dma_wait3A] : memref<2x10112x128xf32, #tpu.memory_space<hbm>> -> memref<1x120x128xf32, #tpu.memory_space<hbm>>
      %dma_wait3A_66 = tpu.memref_squeeze %dma_wait3A_65 : memref<1x120x128xf32, #tpu.memory_space<hbm>> -> memref<120x128xf32, #tpu.memory_space<hbm>>
      %dma_wait3A_67 = arith.constant 0 : i32
      %dma_wait3A_68 = tpu.memref_slice %arg18[%add3A_55, %dma_wait3A_67] : memref<10112x128xf32, #tpu.memory_space<vmem_shared>> -> memref<120x128xf32, #tpu.memory_space<vmem_shared>>
      tpu.wait_dma2 semaphore(%run_scoped3A : memref<!tpu.dma_semaphore, #tpu.memory_space<semaphore_mem>>) src(%dma_wait3A_68 : memref<120x128xf32, #tpu.memory_space<vmem_shared>>) dst(%dma_wait3A_66 : memref<120x128xf32, #tpu.memory_space<hbm>>)
      tpu.yield
    }) : () -> ()
    "tpu.region"() ({
      %run_scoped3A = tpu.sem_alloc : memref<!tpu.dma_semaphore, #tpu.memory_space<semaphore_mem>>
      %dma_start3A = tpu.memref_slice %arg19[%multiple_of3A] : memref<10112xf32, #tpu.memory_space<vmem_shared>> -> memref<632xf32, #tpu.memory_space<vmem_shared>>
      %dma_start3A_61 = tpu.memref_slice %arg19[%multiple_of3A] : memref<10112xf32, #tpu.memory_space<vmem_shared>> -> memref<632xf32, #tpu.memory_space<vmem_shared>>
      tpu.enqueue_dma source(%dma_start3A_61 : memref<632xf32, #tpu.memory_space<vmem_shared>>) target(%arg13 : memref<632xf32, #tpu.memory_space<vmem>>) target_semaphore(%run_scoped3A : memref<!tpu.dma_semaphore, #tpu.memory_space<semaphore_mem>>)
      %dma_wait3A = tpu.memref_slice %arg19[%multiple_of3A] : memref<10112xf32, #tpu.memory_space<vmem_shared>> -> memref<632xf32, #tpu.memory_space<vmem_shared>>
      %dma_wait3A_62 = tpu.memref_slice %arg19[%multiple_of3A] : memref<10112xf32, #tpu.memory_space<vmem_shared>> -> memref<632xf32, #tpu.memory_space<vmem_shared>>
      tpu.wait_dma2 semaphore(%run_scoped3A : memref<!tpu.dma_semaphore, #tpu.memory_space<semaphore_mem>>) src(%dma_wait3A_62 : memref<632xf32, #tpu.memory_space<vmem_shared>>) dst(%arg13 : memref<632xf32, #tpu.memory_space<vmem>>)
      tpu.yield
    }) : () -> ()
    %mul3A_58 = arith.constant 10112 : i32
    %mul3A_59 = arith.muli %arg0, %mul3A_58 : i32
    %add3A_60 = arith.addi %mul3A_59, %multiple_of3A : i32
    "tpu.region"() ({
      %run_scoped3A = tpu.sem_alloc : memref<!tpu.dma_semaphore, #tpu.memory_space<semaphore_mem>>
      %dma_start3A = tpu.memref_slice %arg6[%add3A_60] : memref<20224xf32, #tpu.memory_space<hbm>> -> memref<632xf32, #tpu.memory_space<hbm>>
      %dma_start3A_61 = tpu.memref_slice %arg6[%add3A_60] : memref<20224xf32, #tpu.memory_space<hbm>> -> memref<632xf32, #tpu.memory_space<hbm>>
      tpu.enqueue_dma source(%arg13 : memref<632xf32, #tpu.memory_space<vmem>>) target(%dma_start3A_61 : memref<632xf32, #tpu.memory_space<hbm>>) target_semaphore(%run_scoped3A : memref<!tpu.dma_semaphore, #tpu.memory_space<semaphore_mem>>)
      %dma_wait3A = tpu.memref_slice %arg6[%add3A_60] : memref<20224xf32, #tpu.memory_space<hbm>> -> memref<632xf32, #tpu.memory_space<hbm>>
      %dma_wait3A_62 = tpu.memref_slice %arg6[%add3A_60] : memref<20224xf32, #tpu.memory_space<hbm>> -> memref<632xf32, #tpu.memory_space<hbm>>
      tpu.wait_dma2 semaphore(%run_scoped3A : memref<!tpu.dma_semaphore, #tpu.memory_space<semaphore_mem>>) src(%arg13 : memref<632xf32, #tpu.memory_space<vmem>>) dst(%dma_wait3A_62 : memref<632xf32, #tpu.memory_space<hbm>>)
      tpu.yield
    }) : () -> ()
    return
  }
}

module attributes {stable_mosaic.version = 14 : i64} {
  func.func @_proj_body(%arg0: i32, %arg1: i32, %arg2: memref<1000x256xf32, #tpu.memory_space<vmem>>, %arg3: memref<1x256x128xf32, #tpu.memory_space<vmem>>, %arg4: memref<1x1000x128xf32, #tpu.memory_space<vmem>>) attributes {dimension_semantics = [#tpu.dimension_semantics<arbitrary>, #tpu.dimension_semantics<arbitrary>], iteration_bounds = array<i64: 2, 10>, scalar_prefetch = 0 : i64, scratch_operands = 0 : i64, tpu.core_type = #tpu.core_type<tc>, window_params = [{transform_indices = @transform_0, window_bounds = array<i64: 1000, 256>}, {transform_indices = @transform_1, window_bounds = array<i64: 1, 256, 128>}, {transform_indices = @transform_2, window_bounds = array<i64: 1, 1000, 128>}]} {
    %get3A = arith.constant 0 : index
    %get3A_0 = arith.constant 0 : index
    %get3A_1 = vector.load %arg2[%get3A, %get3A_0] : memref<1000x256xf32, #tpu.memory_space<vmem>>, vector<1000x256xf32>
    %get3A_2 = arith.constant 0 : index
    %get3A_3 = arith.constant 0 : index
    %get3A_4 = arith.constant 0 : index
    %get3A_5 = vector.load %arg3[%get3A_2, %get3A_3, %get3A_4] : memref<1x256x128xf32, #tpu.memory_space<vmem>>, vector<1x256x128xf32>
    %get3A_6 = vector.shape_cast %get3A_5 : vector<1x256x128xf32> to vector<256x128xf32>
    %dot_general3A = arith.constant dense<0.000000e+00> : vector<1000x128xf32>
    %dot_general3A_7 = tpu.matmul %get3A_1, %get3A_6, %dot_general3A {dimension_numbers = #tpu.dot_dimension_numbers<[1], [0], [0], [1], [0, 0, 1, 1], [], []>, transpose_lhs_hint = false} : vector<1000x256xf32>, vector<256x128xf32>, vector<1000x128xf32> -> vector<1000x128xf32>
    %swap3A = arith.constant 0 : index
    %swap3A_8 = arith.constant 0 : index
    %swap3A_9 = arith.constant 0 : index
    %swap3A_10 = vector.load %arg4[%swap3A, %swap3A_8, %swap3A_9] : memref<1x1000x128xf32, #tpu.memory_space<vmem>>, vector<1x1000x128xf32>
    %swap3A_11 = vector.shape_cast %swap3A_10 : vector<1x1000x128xf32> to vector<1000x128xf32>
    %swap3A_12 = vector.shape_cast %dot_general3A_7 : vector<1000x128xf32> to vector<1x1000x128xf32>
    tpu.vector_store %arg4[%swap3A, %swap3A_8, %swap3A_9], %swap3A_12 {strides = array<i32>} : memref<1x1000x128xf32, #tpu.memory_space<vmem>>, vector<1x1000x128xf32>,
    return
  }
  func.func @transform_0(%arg0: i32, %arg1: i32) -> (i32, i32) {
    %c0_i32 = arith.constant 0 : i32
    %c0_i32_0 = arith.constant 0 : i32
    return %arg1, %c0_i32 : i32, i32
  }
  func.func @transform_1(%arg0: i32, %arg1: i32) -> (i32, i32, i32) {
    %c0_i32 = arith.constant 0 : i32
    %c0_i32_0 = arith.constant 0 : i32
    %c0_i32_1 = arith.constant 0 : i32
    return %arg0, %c0_i32, %c0_i32_0 : i32, i32, i32
  }
  func.func @transform_2(%arg0: i32, %arg1: i32) -> (i32, i32, i32) {
    %c0_i32 = arith.constant 0 : i32
    %c0_i32_0 = arith.constant 0 : i32
    return %arg0, %arg1, %c0_i32 : i32, i32, i32
  }
}

module attributes {stable_mosaic.version = 14 : i64} {
  func.func @_eproj_body(%arg0: i32, %arg1: i32, %arg2: memref<2048x16xf32, #tpu.memory_space<vmem>>, %arg3: memref<1x16x128xf32, #tpu.memory_space<vmem>>, %arg4: memref<1x1x128xf32, #tpu.memory_space<vmem>>, %arg5: memref<1x2048x128xf32, #tpu.memory_space<vmem>>) attributes {dimension_semantics = [#tpu.dimension_semantics<arbitrary>, #tpu.dimension_semantics<arbitrary>], iteration_bounds = array<i64: 2, 80>, scalar_prefetch = 0 : i64, scratch_operands = 0 : i64, tpu.core_type = #tpu.core_type<tc>, window_params = [{transform_indices = @transform_0, window_bounds = array<i64: 2048, 16>}, {transform_indices = @transform_1, window_bounds = array<i64: 1, 16, 128>}, {transform_indices = @transform_2, window_bounds = array<i64: 1, 1, 128>}, {transform_indices = @transform_3, window_bounds = array<i64: 1, 2048, 128>}]} {
    %get3A = arith.constant 0 : index
    %get3A_0 = arith.constant 0 : index
    %get3A_1 = vector.load %arg2[%get3A, %get3A_0] : memref<2048x16xf32, #tpu.memory_space<vmem>>, vector<2048x16xf32>
    %get3A_2 = arith.constant 0 : index
    %get3A_3 = arith.constant 0 : index
    %get3A_4 = arith.constant 0 : index
    %get3A_5 = vector.load %arg3[%get3A_2, %get3A_3, %get3A_4] : memref<1x16x128xf32, #tpu.memory_space<vmem>>, vector<1x16x128xf32>
    %get3A_6 = vector.shape_cast %get3A_5 : vector<1x16x128xf32> to vector<16x128xf32>
    %dot_general3A = arith.constant dense<0.000000e+00> : vector<2048x128xf32>
    %dot_general3A_7 = tpu.matmul %get3A_1, %get3A_6, %dot_general3A {dimension_numbers = #tpu.dot_dimension_numbers<[1], [0], [0], [1], [0, 0, 1, 1], [], []>, transpose_lhs_hint = false} : vector<2048x16xf32>, vector<16x128xf32>, vector<2048x128xf32> -> vector<2048x128xf32>
    %get3A_8 = arith.constant 0 : index
    %get3A_9 = arith.constant 0 : index
    %get3A_10 = arith.constant 0 : index
    %get3A_11 = vector.load %arg4[%get3A_8, %get3A_9, %get3A_10] : memref<1x1x128xf32, #tpu.memory_space<vmem>>, vector<1x1x128xf32>
    %get3A_12 = vector.shape_cast %get3A_11 : vector<1x1x128xf32> to vector<1x128xf32>
    %add3A = vector.broadcast %get3A_12 : vector<1x128xf32> to vector<2048x128xf32>
    %add3A_13 = arith.addf %dot_general3A_7, %add3A : vector<2048x128xf32>
    %swap3A = arith.constant 0 : index
    %swap3A_14 = arith.constant 0 : index
    %swap3A_15 = arith.constant 0 : index
    %swap3A_16 = vector.load %arg5[%swap3A, %swap3A_14, %swap3A_15] : memref<1x2048x128xf32, #tpu.memory_space<vmem>>, vector<1x2048x128xf32>
    %swap3A_17 = vector.shape_cast %swap3A_16 : vector<1x2048x128xf32> to vector<2048x128xf32>
    %swap3A_18 = vector.shape_cast %add3A_13 : vector<2048x128xf32> to vector<1x2048x128xf32>
    tpu.vector_store %arg5[%swap3A, %swap3A_14, %swap3A_15], %swap3A_18 {strides = array<i32>} : memref<1x2048x128xf32, #tpu.memory_space<vmem>>, vector<1x2048x128xf32>,
    return
  }
  func.func @transform_0(%arg0: i32, %arg1: i32) -> (i32, i32) {
    %c0_i32 = arith.constant 0 : i32
    %c0_i32_0 = arith.constant 0 : i32
    return %arg1, %c0_i32 : i32, i32
  }
  func.func @transform_1(%arg0: i32, %arg1: i32) -> (i32, i32, i32) {
    %c0_i32 = arith.constant 0 : i32
    %c0_i32_0 = arith.constant 0 : i32
    %c0_i32_1 = arith.constant 0 : i32
    return %arg0, %c0_i32, %c0_i32_0 : i32, i32, i32
  }
  func.func @transform_2(%arg0: i32, %arg1: i32) -> (i32, i32, i32) {
    %c0_i32 = arith.constant 0 : i32
    %c0_i32_0 = arith.constant 0 : i32
    %c0_i32_1 = arith.constant 0 : i32
    return %arg0, %c0_i32, %c0_i32_0 : i32, i32, i32
  }
  func.func @transform_3(%arg0: i32, %arg1: i32) -> (i32, i32, i32) {
    %c0_i32 = arith.constant 0 : i32
    %c0_i32_0 = arith.constant 0 : i32
    return %arg0, %arg1, %c0_i32 : i32, i32, i32
  }
}

module attributes {stable_mosaic.version = 14 : i64} {
  func.func @_final_body(%arg0: i32, %arg1: memref<1x1000x128xf32, #tpu.memory_space<vmem>>, %arg2: memref<1x1000x128xf32, #tpu.memory_space<vmem>>, %arg3: memref<1000x1xf32, #tpu.memory_space<vmem>>, %arg4: memref<1000x256xf32, #tpu.memory_space<vmem>>, %arg5: memref<256x256xf32, #tpu.memory_space<vmem>>, %arg6: memref<1x256xf32, #tpu.memory_space<vmem>>, %arg7: memref<1x256xf32, #tpu.memory_space<vmem>>, %arg8: memref<1x256xf32, #tpu.memory_space<vmem>>, %arg9: memref<1000x256xf32, #tpu.memory_space<vmem>>) attributes {dimension_semantics = [#tpu.dimension_semantics<arbitrary>], iteration_bounds = array<i64: 10>, scalar_prefetch = 0 : i64, scratch_operands = 0 : i64, tpu.core_type = #tpu.core_type<tc>, window_params = [{transform_indices = @transform_0, window_bounds = array<i64: 1, 1000, 128>}, {transform_indices = @transform_1, window_bounds = array<i64: 1, 1000, 128>}, {transform_indices = @transform_2, window_bounds = array<i64: 1000, 1>}, {transform_indices = @transform_3, window_bounds = array<i64: 1000, 256>}, {pipeline_mode = #tpu.pipeline_mode<synchronous>, transform_indices = @transform_4, window_bounds = array<i64: 256, 256>}, {pipeline_mode = #tpu.pipeline_mode<synchronous>, transform_indices = @transform_5, window_bounds = array<i64: 1, 256>}, {pipeline_mode = #tpu.pipeline_mode<synchronous>, transform_indices = @transform_6, window_bounds = array<i64: 1, 256>}, {pipeline_mode = #tpu.pipeline_mode<synchronous>, transform_indices = @transform_7, window_bounds = array<i64: 1, 256>}, {transform_indices = @transform_8, window_bounds = array<i64: 1000, 256>}]} {
    %get3A = arith.constant 0 : index
    %get3A_0 = arith.constant 0 : index
    %get3A_1 = vector.load %arg3[%get3A, %get3A_0] : memref<1000x1xf32, #tpu.memory_space<vmem>>, vector<1000x1xf32>
    %max3A = arith.constant 1.000000e+00 : f32
    %max3A_2 = vector.broadcast %max3A : f32 to vector<1000x1xf32>
    %max3A_3 = arith.maximumf %get3A_1, %max3A_2 : vector<1000x1xf32>
    %get3A_4 = arith.constant 0 : index
    %get3A_5 = arith.constant 0 : index
    %get3A_6 = arith.constant 0 : index
    %get3A_7 = vector.load %arg1[%get3A_4, %get3A_5, %get3A_6] : memref<1x1000x128xf32, #tpu.memory_space<vmem>>, vector<1x1000x128xf32>
    %get3A_8 = vector.shape_cast %get3A_7 : vector<1x1000x128xf32> to vector<1000x128xf32>
    %get3A_9 = arith.constant 0 : index
    %get3A_10 = arith.constant 0 : index
    %get3A_11 = arith.constant 0 : index
    %get3A_12 = vector.load %arg2[%get3A_9, %get3A_10, %get3A_11] : memref<1x1000x128xf32, #tpu.memory_space<vmem>>, vector<1x1000x128xf32>
    %get3A_13 = vector.shape_cast %get3A_12 : vector<1x1000x128xf32> to vector<1000x128xf32>
    %concatenate3A = tpu.concatenate %get3A_8, %get3A_13 in 1 : vector<1000x128xf32>, vector<1000x128xf32> -> vector<1000x256xf32>
    %get3A_14 = arith.constant 0 : index
    %get3A_15 = arith.constant 0 : index
    %get3A_16 = vector.load %arg5[%get3A_14, %get3A_15] : memref<256x256xf32, #tpu.memory_space<vmem>>, vector<256x256xf32>
    %dot_general3A = arith.constant dense<0.000000e+00> : vector<1000x256xf32>
    %dot_general3A_17 = tpu.matmul %concatenate3A, %get3A_16, %dot_general3A {dimension_numbers = #tpu.dot_dimension_numbers<[1], [0], [0], [1], [0, 0, 1, 1], [], []>, transpose_lhs_hint = false} : vector<1000x256xf32>, vector<256x256xf32>, vector<1000x256xf32> -> vector<1000x256xf32>
    %get3A_18 = arith.constant 0 : index
    %get3A_19 = arith.constant 0 : index
    %get3A_20 = vector.load %arg6[%get3A_18, %get3A_19] : memref<1x256xf32, #tpu.memory_space<vmem>>, vector<1x256xf32>
    %mul3A = vector.broadcast %get3A_1 : vector<1000x1xf32> to vector<1000x256xf32>
    %mul3A_21 = vector.broadcast %get3A_20 : vector<1x256xf32> to vector<1000x256xf32>
    %mul3A_22 = arith.mulf %mul3A, %mul3A_21 : vector<1000x256xf32>
    %add3A = arith.addf %dot_general3A_17, %mul3A_22 : vector<1000x256xf32>
    %div3A = vector.broadcast %max3A_3 : vector<1000x1xf32> to vector<1000x256xf32>
    %div3A_23 = arith.divf %add3A, %div3A : vector<1000x256xf32>
    %get3A_24 = arith.constant 0 : index
    %get3A_25 = arith.constant 0 : index
    %get3A_26 = vector.load %arg4[%get3A_24, %get3A_25] : memref<1000x256xf32, #tpu.memory_space<vmem>>, vector<1000x256xf32>
    %add3A_27 = arith.addf %div3A_23, %get3A_26 : vector<1000x256xf32>
    %reduce_sum3A = arith.constant dense<0.000000e+00> : vector<1000xf32>
    %reduce_sum3A_28 = vector.multi_reduction <add>, %add3A_27, %reduce_sum3A [1] : vector<1000x256xf32> to vector<1000xf32>
    %broadcast_in_dim3A = vector.shape_cast %reduce_sum3A_28 : vector<1000xf32> to vector<1000x1xf32>
    %div3A_29 = arith.constant 2.560000e+02 : f32
    %div3A_30 = vector.broadcast %div3A_29 : f32 to vector<1000x1xf32>
    %div3A_31 = arith.divf %broadcast_in_dim3A, %div3A_30 : vector<1000x1xf32>
    %sub3A = vector.broadcast %div3A_31 : vector<1000x1xf32> to vector<1000x256xf32>
    %sub3A_32 = arith.subf %add3A_27, %sub3A : vector<1000x256xf32>
    %mul3A_33 = arith.mulf %sub3A_32, %sub3A_32 : vector<1000x256xf32>
    %reduce_sum3A_34 = arith.constant dense<0.000000e+00> : vector<1000xf32>
    %reduce_sum3A_35 = vector.multi_reduction <add>, %mul3A_33, %reduce_sum3A_34 [1] : vector<1000x256xf32> to vector<1000xf32>
    %broadcast_in_dim3A_36 = vector.shape_cast %reduce_sum3A_35 : vector<1000xf32> to vector<1000x1xf32>
    %div3A_37 = arith.constant 2.560000e+02 : f32
    %div3A_38 = vector.broadcast %div3A_37 : f32 to vector<1000x1xf32>
    %div3A_39 = arith.divf %broadcast_in_dim3A_36, %div3A_38 : vector<1000x1xf32>
    %add3A_40 = arith.constant 9.99999974E-6 : f32
    %add3A_41 = vector.broadcast %add3A_40 : f32 to vector<1000x1xf32>
    %add3A_42 = arith.addf %div3A_39, %add3A_41 : vector<1000x1xf32>
    %rsqrt3A = math.rsqrt %add3A_42 : vector<1000x1xf32>
    %mul3A_43 = vector.broadcast %rsqrt3A : vector<1000x1xf32> to vector<1000x256xf32>
    %mul3A_44 = arith.mulf %sub3A_32, %mul3A_43 : vector<1000x256xf32>
    %get3A_45 = arith.constant 0 : index
    %get3A_46 = arith.constant 0 : index
    %get3A_47 = vector.load %arg7[%get3A_45, %get3A_46] : memref<1x256xf32, #tpu.memory_space<vmem>>, vector<1x256xf32>
    %mul3A_48 = vector.broadcast %get3A_47 : vector<1x256xf32> to vector<1000x256xf32>
    %mul3A_49 = arith.mulf %mul3A_44, %mul3A_48 : vector<1000x256xf32>
    %get3A_50 = arith.constant 0 : index
    %get3A_51 = arith.constant 0 : index
    %get3A_52 = vector.load %arg8[%get3A_50, %get3A_51] : memref<1x256xf32, #tpu.memory_space<vmem>>, vector<1x256xf32>
    %add3A_53 = vector.broadcast %get3A_52 : vector<1x256xf32> to vector<1000x256xf32>
    %add3A_54 = arith.addf %mul3A_49, %add3A_53 : vector<1000x256xf32>
    %swap3A = arith.constant 0 : index
    %swap3A_55 = arith.constant 0 : index
    %swap3A_56 = vector.load %arg9[%swap3A, %swap3A_55] : memref<1000x256xf32, #tpu.memory_space<vmem>>, vector<1000x256xf32>
    tpu.vector_store %arg9[%swap3A, %swap3A_55], %add3A_54 {strides = array<i32>} : memref<1000x256xf32, #tpu.memory_space<vmem>>, vector<1000x256xf32>,
    return
  }
  func.func @transform_0(%arg0: i32) -> (i32, i32, i32) {
    %c0_i32 = arith.constant 0 : i32
    %c0_i32_0 = arith.constant 0 : i32
    %c0_i32_1 = arith.constant 0 : i32
    return %c0_i32, %arg0, %c0_i32_0 : i32, i32, i32
  }
  func.func @transform_1(%arg0: i32) -> (i32, i32, i32) {
    %c1_i32 = arith.constant 1 : i32
    %c0_i32 = arith.constant 0 : i32
    %c0_i32_0 = arith.constant 0 : i32
    return %c1_i32, %arg0, %c0_i32 : i32, i32, i32
  }
  func.func @transform_2(%arg0: i32) -> (i32, i32) {
    %c0_i32 = arith.constant 0 : i32
    %c0_i32_0 = arith.constant 0 : i32
    return %arg0, %c0_i32 : i32, i32
  }
  func.func @transform_3(%arg0: i32) -> (i32, i32) {
    %c0_i32 = arith.constant 0 : i32
    %c0_i32_0 = arith.constant 0 : i32
    return %arg0, %c0_i32 : i32, i32
  }
  func.func @transform_4(%arg0: i32) -> (i32, i32) {
    %c0_i32 = arith.constant 0 : i32
    %c0_i32_0 = arith.constant 0 : i32
    %c0_i32_1 = arith.constant 0 : i32
    return %c0_i32, %c0_i32_0 : i32, i32
  }
  func.func @transform_5(%arg0: i32) -> (i32, i32) {
    %c0_i32 = arith.constant 0 : i32
    %c0_i32_0 = arith.constant 0 : i32
    %c0_i32_1 = arith.constant 0 : i32
    return %c0_i32, %c0_i32_0 : i32, i32
  }
  func.func @transform_6(%arg0: i32) -> (i32, i32) {
    %c0_i32 = arith.constant 0 : i32
    %c0_i32_0 = arith.constant 0 : i32
    %c0_i32_1 = arith.constant 0 : i32
    return %c0_i32, %c0_i32_0 : i32, i32
  }
  func.func @transform_7(%arg0: i32) -> (i32, i32) {
    %c0_i32 = arith.constant 0 : i32
    %c0_i32_0 = arith.constant 0 : i32
    %c0_i32_1 = arith.constant 0 : i32
    return %c0_i32, %c0_i32_0 : i32, i32
  }
  func.func @transform_8(%arg0: i32) -> (i32, i32) {
    %c0_i32 = arith.constant 0 : i32
    %c0_i32_0 = arith.constant 0 : i32
    return %arg0, %c0_i32 : i32, i32
  }
}

</mosaic_0001>

<sc_bundles>
// kernel: kernel.6.cloned.1.call-start
scs
__scs_entry_jumppad:
0x0: {  	(pc) =	sbr.rel $0x88, $3  }
0x1: {  	(tag) =	ssettag $0x0;
	lr =	simm.s32 $0x1  }
0x2: {  	[smem:$0x3F98] =	sst lr;
	_ =	strace $0xD0000000  }
0x3: {  	_ = 	snop  }
0x4: {  	_ = 	snop  }
0x5: {  	_ = 	snop  }
0x6: {  	_ = 	snop  }
0x7: {  	_ = 	snop  }
__scs_overlays_trampoline_lowered:
0x8: {  	[smem:$0x3FA7] =	sst s0  }
0x9: {  	[smem:$0x3FA8] =	sst s1  }
0xa: {  	[smem:$0x3FA9] =	sst s2  }
0xb: {  	[smem:$0x3FAA] =	sst s3  }
0xc: {  	[smem:$0x3FAB] =	sst s4  }
0xd: {  	[smem:$0x3FAC] =	sst s5  }
0xe: {  	[smem:$0x3FAD] =	sst s6  }
0xf: {  	[smem:$0x3FAE] =	sst s7  }
0x10: {  	[smem:$0x3FAF] =	sst s8  }
0x11: {  	[smem:$0x3FB0] =	sst s9;
	s0 =	simm.s32 @!p0 $0x0  }
0x12: {  	s1 =	sld [smem:$0x3F96];
	s0 =	simm.s32 @p0 $0x1  }
0x13: {  	[smem:$0x3FB1] =	sst s0;
	s0 =	simm.s32 @!p1 $0x0  }
0x14: {  	s2 =	sld [smem:$0x3F95];
	s0 =	simm.s32 @p1 $0x1  }
0x15: {  	[smem:$0x3FB2] =	sst s0;
	s0 =	simm.s32 @!p2 $0x0  }
0x16: {  	s3 =	sld [smem:$0x3FDB];
	s0 =	simm.s32 @p2 $0x1  }
0x17: {  	s4 =	simm.s32 $0x1BF5;
	[smem:$0x3FB4] =	sst s0  }
0x18: {  	s0 =	sld [smem:$0x3F97];
	_ =	swait.ge [sflag:s4], $0x0  }
0x19: {  	s7 =	sld [smem:$0x3F98]  }
0x1a: {  	s8 =	sadd.s32 $0xFFFFE003, lr  }
0x1b: {  	s9 =	sadd.s32 $0xFFFFFEF7, lr;
	s5 =	simm.s32 $0xFFFFFFFF;
	p2 =	slt.u32 s8, $0xFFFFF086  }
0x1c: {  	p1 =	slt.u32 s9, $0xF7A;
	s5 =	simm.s32 @!p2 $0x0  }
0x1d: {  	s5 =	simm.s32 @p1 $0x1;
	p0 =	seq.s32 s7, s2  }
0x1e: {  	s7 =	smul.u32 @!p0 $0xF7A, s2;
	p2 =	seq.s32 @!p0 s5, $0x0  }
0x1f: {  	s9 =	smul.u32 $0xF7A, s1;
	s8 =	simm.s32 @!p0 $0x1BF5;
	p2 =	por !p2, p0  }
0x20: {  	[sflag:s8] =	ssyncset.s32 @!p0 $0xFFFFF086;
	s6 =	sadd.s32 @!p0 s3, s7;
	s7 =	simm.s32 @!p0 $0x108  }
0x21: {  	s3 =	sadd.s32 s3, s9;
	s6 =	sadd.s32 @!p0 $0x88, s6;
	s7 =	simm.s32 @p2 $0x1082  }
0x22: {  	[simem:s7], [sflag:s8] =	dma.local @!p0 [hbm:s6], $0xF7A  }
0x23: {  	s9 =	sor.u32 $0xD0000000, s2;
	s6 =	simm.s32 $0x108;
	_ =	swait.ge @!p0 [sflag:s8], $0x0  }
0x24: {  	s3 =	sadd.s32 $0x88, s3;
	s6 =	simm.s32 @!p1 $0x1082;
	[sflag:s4] =	ssyncset.s32 $0xFFFFF086  }
0x25: {  	[simem:s6], [sflag:s4] =	dma.local [hbm:s3], $0xF7A  }
0x26: {  	[smem:$0x3F98] =	sst s1;
	(tag) =	ssettag s2;
	_ =	strace s9  }
0x27: {  	s1 =	sld [smem:$0x3FA8]  }
0x28: {  	s2 =	sld [smem:$0x3FA9]  }
0x29: {  	s4 =	sld [smem:$0x3FAB]  }
0x2a: {  	p0 =	seq.s32 s5, $0x0;
	s5 =	sld [smem:$0x3FAC]  }
0x2b: {  	s6 =	sld [smem:$0x3FAD]  }
0x2c: {  	s7 =	sld [smem:$0x3FAE]  }
0x2d: {  	s3 =	simm.s32 $0x108;
	s8 =	sld [smem:$0x3FAF]  }
0x2e: {  	s3 =	simm.s32 @!p0 $0x1082;
	s9 =	sld [smem:$0x3FB0]  }
0x2f: {  	lr =	sadd.s32 s0, s3;
	s0 =	sld [smem:$0x3FA7]  }
0x30: {  	s3 =	sld [smem:$0x3FAA]  }
0x31: {  	[smem:$0x3FB3] =	sst s10  }
0x32: {  	s10 =	sld [smem:$0x3FB1];
	_ =	sdelay $0x3  }
0x33: {  	p0 =	seq.s32 s10, $0x1;
	s10 =	sld [smem:$0x3FB3];
	_ =	sdelay $0x3  }
0x34: {  	[smem:$0x3FB3] =	sst s10  }
0x35: {  	s10 =	sld [smem:$0x3FB2];
	_ =	sdelay $0x3  }
0x36: {  	p1 =	seq.s32 s10, $0x1;
	s10 =	sld [smem:$0x3FB3];
	_ =	sdelay $0x3  }
0x37: {  	[smem:$0x3FB3] =	sst s10  }
0x38: {  	s10 =	sld [smem:$0x3FB4]  }
0x39: {  	_ = 	snop;
	(pc) =	sbr.ind lr, $3  }
0x3a: {  	_ = 	snop  }
0x3b: {  	_ = 	snop  }
0x3c: {  	p2 =	seq.s32 s10, $0x1;
	s10 =	sld [smem:$0x3FB3]  }
0x3d: {  	_ =	shalt  }
0x3e: {  	_ =	shalt  }
0x3f: {  	_ =	shalt  }
0x40: {  	_ =	shalt  }
0x41: {  	_ =	shalt  }
0x42: {  	_ =	shalt  }
0x43: {  	_ =	shalt  }
0x44: {  	_ =	shalt  }
0x45: {  	_ =	shalt  }
0x46: {  	_ =	shalt  }
0x47: {  	_ =	shalt  }
0x48: {  	_ =	shalt  }
0x49: {  	_ =	shalt  }
0x4a: {  	_ =	shalt  }
0x4b: {  	_ =	shalt  }
0x4c: {  	_ =	shalt  }
0x4d: {  	_ =	shalt  }
0x4e: {  	_ =	shalt  }
0x4f: {  	_ =	shalt  }
0x50: {  	_ =	shalt  }
0x51: {  	_ =	shalt  }
0x52: {  	_ =	shalt  }
0x53: {  	_ =	shalt  }
0x54: {  	_ =	shalt  }
0x55: {  	_ =	shalt  }
0x56: {  	_ =	shalt  }
0x57: {  	_ =	shalt  }
0x58: {  	_ =	shalt  }
0x59: {  	_ =	shalt  }
0x5a: {  	_ =	shalt  }
0x5b: {  	_ =	shalt  }
0x5c: {  	_ =	shalt  }
0x5d: {  	_ =	shalt  }
0x5e: {  	_ =	shalt  }
0x5f: {  	_ =	shalt  }
0x60: {  	_ =	shalt  }
0x61: {  	_ =	shalt  }
0x62: {  	_ =	shalt  }
0x63: {  	_ =	shalt  }
0x64: {  	_ =	shalt  }
0x65: {  	_ =	shalt  }
0x66: {  	_ =	shalt  }
0x67: {  	_ =	shalt  }
0x68: {  	_ =	shalt  }
0x69: {  	_ =	shalt  }
0x6a: {  	_ =	shalt  }
0x6b: {  	_ =	shalt  }
0x6c: {  	_ =	shalt  }
0x6d: {  	_ =	shalt  }
0x6e: {  	_ =	shalt  }
0x6f: {  	_ =	shalt  }
0x70: {  	_ =	shalt  }
0x71: {  	_ =	shalt  }
0x72: {  	_ =	shalt  }
0x73: {  	_ =	shalt  }
0x74: {  	_ =	shalt  }
0x75: {  	_ =	shalt  }
0x76: {  	_ =	shalt  }
0x77: {  	_ =	shalt  }
0x78: {  	_ =	shalt  }
0x79: {  	_ =	shalt  }
0x7a: {  	_ =	shalt  }
0x7b: {  	_ =	shalt  }
0x7c: {  	_ =	shalt  }
0x7d: {  	_ =	shalt  }
0x7e: {  	_ =	shalt  }
0x7f: {  	_ =	shalt  }
0x80: {  	_ =	shalt  }
0x81: {  	_ =	shalt  }
0x82: {  	_ =	shalt  }
0x83: {  	_ =	shalt  }
0x84: {  	_ =	shalt  }
0x85: {  	_ =	shalt  }
0x86: {  	_ =	shalt  }
0x87: {  	_ =	shalt  }
.Lfunc_end0:
.L_simem_size_0:
called_computation_lowered:
.L_overlay_start_0:
0x88: {  	s2 =	sld [smem:$0x3FD9]  }
0x89: {  	s3 =	sld [smem:$0x3FFE];
	_ =	sdelay $0x1  }
0x8a: {  	s1 =	srdreg.scid  }
0x8b: {  	s0 =	sand.u32 $0x1, s1  }
0x8c: {  	s17 =	sshll.u32 s0, $0xA;
	s2 =	sadd.s32 s3, s2  }
0x8d: {  	s2 =	sadd.s32 s2, s17  }
0x8e: {  	[smem:$0x3FBF] =	sst s2  }
0x8f: {  	_ = 	snop  }
0x90: {  	s2 =	sld [smem:$0x3FD0];
	(tm) =	ssettm $0x1  }
0x91: {  	s18 =	sld [smem:$0x3FFB];
	_ =	sdelay $0x3  }
0x92: {  	_ =	strace s18  }
0x93: {  	s3 =	sld [smem:$0x3FFC];
	_ =	sdelay $0x3  }
0x94: {  	_ =	strace s3  }
0x95: {  	s3 =	sld [smem:$0x3FFD];
	_ =	sdelay $0x3  }
0x96: {  	_ =	strace s3  }
0x97: {  	_ =	strace $0x8FFFFFFF  }
0x98: {  	s19 =	sld [smem:$0x3FDB];
	_ =	sdelay $0x1  }
0x99: {  	s4 =	simm.s32 $_scs_section_size  }
0x9a: {  	s5 =	simm.s32 $_size__tile_overlayer_lowered;
	s6 =	simm.s32 $_tile_overlayer_lowered  }
0x9b: {  	s22 =	simm.s32 $0x1BFF;
	s21 =	sshll.u32 s6, $0x1;
	s3 =	sadd.s32 s4, s19  }
0x9c: {  	s7 =	simm.s32 $0x0;
	s20 =	sshll.u32 s5, $0x1;
	s5 =	sadd.s32 s21, s3  }
0x9d: {  	[timem:s7], [sflag:s22] =	dma.local [hbm:s5], s20  }
0x9e: {  	_ =	swait.ge [sflag:s22], s20  }
0x9f: {  	s4 =	ssub.s32 $0x0, s20;
	[sflag:s22] =	ssyncset.done $0x0  }
0xa0: {  	[sflag:s22] =	ssyncadd.s32 s4;
	_ =	sdelay $0x1  }
0xa1: {  	s23 =	simm.s32 $0x1B8B  }
0xa2: {  	_ =	swait.ge [sflag:s23], $0x1  }
0xa3: {  	[sflag:s23] =	ssyncset.done $0x0  }
0xa4: {  	s25 =	simm.s32 $0x1B8E;
	s24 =	sld [smem:$0x3FFE];
	[sflag:s23] =	ssyncadd.s32 $0xFFFFFFFF  }
0xa5: {  	s26 =	simm.s32 $execute0_lowered;
	[smem:$0x3FD2] =	sst s25  }
0xa6: {  	s5 =	sshll.u32 s26, $0x1;
	_ =	strace $0x80000046;
	[dreg:$0x1] =	wrdreg $0xFFFFFFFF  }
0xa7: {  	s28 =	simm.s32 $_size_execute0_lowered;
	s3 =	sadd.s32 s3, s5;
	[dreg:$0x0] =	wrdreg $0x0  }
0xa8: {  	s5 =	sshll.u32 s28, $0x1;
	[dreg:$0x2] =	wrdreg s3  }
0xa9: {  	[dreg:$0x3] =	wrdreg s5  }
0xaa: {  	[dreg:$0x4] =	wrdreg $0xC0  }
0xab: {  	_ =	task [dreg:s7], $0x5FFFF  }
0xac: {  	[dreg:$0x1] =	wrdreg $0xFFFFFFFF  }
0xad: {  	[dreg:$0x0] =	wrdreg $0x60  }
0xae: {  	[dreg:$0x2] =	wrdreg s2  }
0xaf: {  	[dreg:$0x3] =	wrdreg s24  }
0xb0: {  	[dreg:$0x4] =	wrdreg $0xAC000  }
0xb1: {  	[dreg:$0x5] =	wrdreg $0x1E8000  }
0xb2: {  	[dreg:$0x6] =	wrdreg $0x9  }
0xb3: {  	_ =	task.clear_ibuf [dreg:s7], $0x7FFFF;
	_ =	strace $0x90000046  }
0xb4: {  	s29 =	simm.s32 $0x9;
	_ =	strace $0x80000048  }
0xb5: {  	_ =	swait.ge [sflag:s29], $0x1  }
0xb6: {  	[sflag:s29] =	ssyncadd.s32 $0xFFFFFFFF  }
0xb7: {  	_ =	strace $0x90000048  }
0xb8: {  	_ =	sfence  }
0xb9: {  	s30 =	sld [smem:$0x0];
	_ =	sdelay $0x2  }
0xba: {  	s31 =	sshll.u32 s1, $0xD;
	s1 =	sshrl.u32 s1, $0x2  }
0xbb: {  	s3 =	sand.u32 $0x4000, s31;
	s1 =	sadd.s32 s1, s30  }
0xbc: {  	s0 =	sor.u32 s3, s0;
	s1 =	sshll.u32 s1, $0x11  }
0xbd: {  	s0 =	sor.u32 s1, s0  }
0xbe: {  	s0 =	sadd.s32 $0x8F2B, s0  }
0xbf: {  	[sflag:s0] =	ssyncadd.remote.s32 $0x1  }
0xc0: {  	_ =	sfence.sel $0xFFFF  }
0xc1: {  	[dreg:$0x0] =	wrdreg $0xFFFFFFFF;
	(pc) =	sbr.abs _section_cstart, $3  }
0xc2: {  	[dreg:$0x1] =	wrdreg $0xFFFFFFFF  }
0xc3: {  	_ =	task.clear_ibuf [dreg:s7], $0x2FFFF;
	_ =	strace $0x9FFFFFFF  }
0xc4: {  	(tm) =	ssettm $0x7FFFFFFF  }
0xc5: {  	_ =	shalt  }
tec
execute0_lowered:
.L_overlay_start_1:
0x0: {  	(tag) =	ssettag $0x1  }
0x1: {  	s0 =	rddreg [dreg:$0x0]  }
0x2: {  	s1 =	rddreg [dreg:$0x1]  }
0x3: {  	s2 =	rddreg [dreg:$0x2];
	s11 =	stileid.u32  }
0x4: {  	s3 =	rddreg [dreg:$0x3];
	s4 =	smul.u32 $0x500, s11  }
0x5: {  	s5 =	srdreg.scid;
	s8 =	smul.u32 $0x278, s11  }
0x6: {  	s17 =	simm.s32 $0x0;
	s28 =	simm.s32 $0x2900;
	s10 =	smul.u32 $0x4F000, s11  }
0x7: {  	s29 =	simm.s32 $0xA980;
	s6 =	sand.u32 $0x1, s5;
	s23 =	smul.u32 $0x13C00, s11  }
0x8: {  	s30 =	simm.s32 $0x80;
	s31 =	simm.s32 $0x2800;
	s7 =	smul.u32 $0x2780, s6  }
0x9: {  	[smem:$0x7FF] =	sst s17;
	s5 =	sadd.s32 $0x4F3400, s1;
	s19 =	smul.u32 $0x27100, s6  }
0xa: {  	s13 =	sadd.s32 $0x7E00, s1;
	p0 =	seq.s32 s11, $0xF;
	s20 =	smul.u32 $0x1400000, s6  }
0xb: {  	_ =	strace $0x80000047;
	s9 =	ssub.s32 $0x2, s6;
	s6 =	smul.u32 $0x13C000, s6  }
0xc: {  	s4 =	sadd.s32 s4, s1;
	s16 =	sshrl.u32 s9, $0x1;
	s18 =	sshrl.u32 s10, $0x2  }
0xd: {  	s14 =	sshll.u32 s8, $0x7;
	s7 =	sadd.s32 s8, s7;
	s9 =	ssub.s32 s9, s16  }
0xe: {  	s4 =	sadd.s32 $0x2400, s4;
	s15 =	sadd.s32 $0x10000, s14;
	s16 =	smul.u32 $0x140000, s11  }
0xf: {  	s11 =	sadd.s32 s0, s19;
	s25 =	sadd.s32 s6, s23;
	s10 =	sadd.s32 $0x4000, s14  }
0x10: {  	s7 =	sshrl.u32 s7, $0x3;
	[dreg:$0x5] =	wrdreg s4;
	s24 =	sadd.s32 s6, s15  }
0x11: {  	s26 =	sshrl.u32 s25, $0x3;
	s19 =	sadd.s32 s15, s2;
	s1 =	sadd.s32 s7, s1  }
0x12: {  	s7 =	sadd.s32 s18, s2;
	s0 =	sshrl.u32 s24, $0x3;
	s4 =	sadd.s32 s13, s26  }
0x13: {  	s18 =	simm.s32 $0x32;
	s12 =	sadd.s32 $0x4000, s7;
	[dreg:$0xa] =	wrdreg s4  }
0x14: {  	s21 =	sadd.s32 $0x8000, s7;
	s22 =	sadd.s32 $0xC000, s7;
	[dreg:$0x6] =	wrdreg s12  }
0x15: {  	s0 =	sadd.s32 s13, s0;
	s18 =	simm.s32 @!p0 $0x50;
	[dreg:$0x7] =	wrdreg s21  }
0x16: {  	s1 =	sadd.s32 $0x7400, s1;
	[dreg:$0x8] =	wrdreg s22;
	s12 =	sadd.s32 s16, s20  }
0x17: {  	[dreg:$0x9] =	wrdreg s0;
	s20 =	sadd.s32 s6, s10;
	s21 =	sadd.s32 $0x8000, s14  }
0x18: {  	s14 =	sadd.s32 $0xC000, s14;
	[dreg:$0xe] =	wrdreg s1;
	s0 =	sadd.s32 s10, s2  }
0x19: {  	s1 =	simm.s32 $0x1;
	s10 =	simm.s32 $0x4;
	s4 =	sshrl.u32 s20, $0x3  }
0x1a: {  	s22 =	sadd.s32 s6, s21;
	s6 =	sadd.s32 s6, s14;
	s20 =	sadd.s32 s8, s3  }
0x1b: {  	s25 =	sadd.s32 s21, s2;
	s26 =	sadd.s32 s14, s2;
	s8 =	simm.s32 $0xA900  }
0x1c: {  	s4 =	sadd.s32 s13, s4;
	s23 =	sshrl.u32 s22, $0x3;
	s6 =	sshrl.u32 s6, $0x3  }
0x1d: {  	s22 =	smax.u32 s9, $0x1;
	s9 =	simm.s32 $0x3;
	[dreg:$0xb] =	wrdreg s4  }
0x1e: {  	s4 =	sadd.s32 s13, s23;
	s24 =	sadd.s32 s13, s6;
	s23 =	sshrl.u32 s0, $0x3  }
0x1f: {  	s0 =	simm.s32 $0x6900;
	s6 =	simm.s32 $0x2880;
	[dreg:$0xc] =	wrdreg s4  }
0x20: {  	s13 =	simm.s32 $0x0;
	[dreg:$0xd] =	wrdreg s24;
	s24 =	sshrl.u32 s25, $0x3  }
0x21: {  	v0 =	vimm.f32 $0.0e+00;
	v1 =	vimm.f32 $1.000000000e+00;
	s25 =	sshrl.u32 s26, $0x3;
	s26 =	simm.s32 $0x5;
	s4 =	simm.s32 $0x2  }
.LBB2_1:
0x22: {  	s14 =	rddreg [dreg:$0x5]  }
0x23: {  	[tilespmem:s17], [sflag:$0x5] =	stream.linear.gather [hbm4b:s14+s17], $0x2800, $0x38;
	[tilespmem:$0x1EA78] =	vst v63  }
0x24: {  	_ =	swait.ge [sflag:s26], $0x2800  }
0x25: {  	[sflag:s26] =	ssyncset.done $0x0  }
0x26: {  	s15 =	simm.s32 $0x200;
	s14 =	simm.s32 $0x0;
	[sflag:s26] =	ssyncadd.s32 $0xFFFFD800  }
.LBB2_2:
0x27: {  	p0 =	sne.s32 s15, $0xFE00;
	[tilespmem:s14+$0x2970] =	vst v0  }
0x28: {  	[tilespmem:s14+$0x2900] =	vst v0  }
0x29: {  	[tilespmem:s14+$0x2910] =	vst v0  }
.Ltmp0:
0x2a: {  	[tilespmem:s14+$0x2920] =	vst v0;
	(pc) =	sbr.rel @p0 .LBB2_2-.Ltmp0, $4  }
0x2b: {  	[tilespmem:s14+$0x2930] =	vst v0  }
0x2c: {  	[tilespmem:s14+$0x2940] =	vst v0  }
0x2d: {  	[tilespmem:s14+$0x2950] =	vst v0  }
0x2e: {  	[tilespmem:s14+$0x2960] =	vst v0;
	s14 =	sshra.s32 s15, $0x2;
	s15 =	sadd.s32 $0x200, s15  }
0x2f: {  	[tilespmem:s14+$0x2970] =	vst v0  }
0x30: {  	[tilespmem:s14+$0x2900] =	vst v0  }
0x31: {  	[tilespmem:s14+$0x2910] =	vst v0  }
0x32: {  	[tilespmem:s14+$0x2920] =	vst v0  }
0x33: {  	[tilespmem:s14+$0x2930] =	vst v0  }
0x34: {  	[tilespmem:s14+$0x2940] =	vst v0  }
0x35: {  	[tilespmem:s14+$0x2950] =	vst v0  }
0x36: {  	[tilespmem:s14+$0x2960] =	vst v0  }
0x37: {  	[tilespmem:$0xA900] =	vst v1  }
0x38: {  	[tilespmem:$0xA910] =	vst v1  }
0x39: {  	[tilespmem:$0xA920] =	vst v1  }
0x3a: {  	[tilespmem:$0xA930] =	vst v1  }
0x3b: {  	[tilespmem:$0xA940] =	vst v1  }
0x3c: {  	[tilespmem:$0xA950] =	vst v1  }
0x3d: {  	[tilespmem:$0xA960] =	vst v1  }
0x3e: {  	[tilespmem:$0xA970] =	vst v1  }
0x3f: {  	[tilespmem:$0xA980] =	vst v0  }
0x40: {  	[tilespmem:$0xA990] =	vst v0  }
0x41: {  	[tilespmem:$0xA9A0] =	vst v0  }
0x42: {  	[tilespmem:$0xA9B0] =	vst v0  }
0x43: {  	[tilespmem:$0xA9C0] =	vst v0  }
0x44: {  	[tilespmem:$0xA9D0] =	vst v0  }
0x45: {  	[tilespmem:$0xA9E0] =	vst v0  }
0x46: {  	[tilespmem:$0xA9F0] =	vst v0  }
0x47: {  	[tilespmem:$0xAA00] =	vst v0  }
0x48: {  	[tilespmem:$0xAA10] =	vst v0  }
0x49: {  	[tilespmem:$0xAA20] =	vst v0  }
0x4a: {  	[tilespmem:$0xAA30] =	vst v0  }
0x4b: {  	[tilespmem:$0xAA40] =	vst v0  }
0x4c: {  	[tilespmem:$0xAA50] =	vst v0  }
0x4d: {  	[tilespmem:$0xAA60] =	vst v0  }
0x4e: {  	[tilespmem:$0xAA70] =	vst v0  }
0x4f: {  	[tilespmem:$0xAA80] =	vst v0  }
0x50: {  	[tilespmem:$0xAA90] =	vst v0  }
0x51: {  	[tilespmem:$0xAAA0] =	vst v0  }
0x52: {  	[tilespmem:$0xAAB0] =	vst v0  }
0x53: {  	[tilespmem:$0xAAC0] =	vst v0  }
0x54: {  	[tilespmem:$0xAAD0] =	vst v0  }
0x55: {  	[tilespmem:$0xAAE0] =	vst v0  }
0x56: {  	[tilespmem:$0xAAF0] =	vst v0  }
0x57: {  	[tilespmem:$0xAB00] =	vst v0  }
0x58: {  	[tilespmem:$0xAB10] =	vst v0  }
0x59: {  	[tilespmem:$0xAB20] =	vst v0  }
0x5a: {  	[tilespmem:$0xAB30] =	vst v0  }
0x5b: {  	[tilespmem:$0xAB40] =	vst v0  }
0x5c: {  	[tilespmem:$0xAB50] =	vst v0  }
0x5d: {  	[tilespmem:$0xAB60] =	vst v0  }
0x5e: {  	[tilespmem:$0xAB70] =	vst v0  }
0x5f: {  	[tilespmem:$0xAB80] =	vst v0  }
0x60: {  	[tilespmem:$0xAB90] =	vst v0  }
0x61: {  	[tilespmem:$0xABA0] =	vst v0  }
0x62: {  	[tilespmem:$0xABB0] =	vst v0  }
0x63: {  	[tilespmem:$0xABC0] =	vst v0  }
0x64: {  	[tilespmem:$0xABD0] =	vst v0  }
0x65: {  	[tilespmem:$0xABE0] =	vst v0  }
0x66: {  	[spmem:s7] =	stream.linear.scatter [tilespmem:s28], [sflag:$0x5], $0x4000, $0x38;
	[tilespmem:$0x1EA78] =	vst v63  }
0x67: {  	_ =	swait.ge [sflag:s26], $0x4000  }
0x68: {  	[sflag:s26] =	ssyncset.done $0x0  }
0x69: {  	s16 =	rddreg [dreg:$0x6];
	[sflag:s26] =	ssyncadd.s32 $0xFFFFC000  }
0x6a: {  	[spmem:s16] =	stream.linear.scatter [tilespmem:s28], [sflag:$0x5], $0x4000, $0x38;
	[tilespmem:$0x1EA78] =	vst v63  }
0x6b: {  	_ =	swait.ge [sflag:s26], $0x4000  }
0x6c: {  	[sflag:s26] =	ssyncset.done $0x0  }
0x6d: {  	s17 =	rddreg [dreg:$0x7];
	[sflag:s26] =	ssyncadd.s32 $0xFFFFC000  }
0x6e: {  	[spmem:s17] =	stream.linear.scatter [tilespmem:s28], [sflag:$0x5], $0x4000, $0x38;
	[tilespmem:$0x1EA78] =	vst v63  }
0x6f: {  	_ =	swait.ge [sflag:s26], $0x4000  }
0x70: {  	[sflag:s26] =	ssyncset.done $0x0  }
0x71: {  	s21 =	rddreg [dreg:$0x8];
	[sflag:s26] =	ssyncadd.s32 $0xFFFFC000  }
0x72: {  	[spmem:s21] =	stream.linear.scatter [tilespmem:s28], [sflag:$0x5], $0x4000, $0x38;
	[tilespmem:$0x1EA78] =	vst v63  }
0x73: {  	_ =	swait.ge [sflag:s26], $0x4000  }
0x74: {  	[sflag:s26] =	ssyncset.done $0x0  }
0x75: {  	[sflag:s26] =	ssyncadd.s32 $0xFFFFC000  }
0x76: {  	[spmem:s19] =	stream.linear.scatter [tilespmem:s28], [sflag:$0x5], $0x3C00, $0x38;
	[tilespmem:$0x1EA78] =	vst v63  }
0x77: {  	_ =	swait.ge [sflag:s26], $0x3C00  }
0x78: {  	[sflag:s26] =	ssyncset.done $0x0  }
0x79: {  	[sflag:s26] =	ssyncadd.s32 $0xFFFFC400  }
0x7a: {  	[spmem:s20] =	stream.linear.scatter [tilespmem:s29], [sflag:$0x5], $0x278, $0x38;
	[tilespmem:$0x1EA78] =	vst v63  }
0x7b: {  	_ =	swait.ge [sflag:s26], $0x278  }
0x7c: {  	[sflag:s26] =	ssyncset.done $0x0  }
0x7d: {  	[sflag:s26] =	ssyncadd.s32 $0xFFFFFD88  }
0x7e: {  	s14 =	simm.s32 $0x0;
	s15 =	simm.s32 $0x0;
	[bflag:$0x0] =	sbarrier.arrive $0xFFFF  }
.LBB2_4:
0x7f: {  	s16 =	sshll.u32 s15, $0x9  }
0x80: {  	s16 =	sshra.s32 s16, $0x2  }
0x81: {  	v2 =	vld [tilespmem:s16+$0x0];
	_ =	sdelay $0x4  }
0x82: {  	v3 =	vand.u32 $0x3FFF, v2  }
0x83: {  	v2 =	vshra.s32 v2, $0xE;
	[tilespmem:$0x2800] =	vst v3  }
0x84: {  	[tilespmem:$0x2880] =	vst v2  }
0x85: {  	v2 =	vld [tilespmem:s16+$0x10];
	_ =	sdelay $0x4  }
0x86: {  	v3 =	vand.u32 $0x3FFF, v2  }
0x87: {  	v2 =	vshra.s32 v2, $0xE;
	[tilespmem:$0x2810] =	vst v3  }
0x88: {  	[tilespmem:$0x2890] =	vst v2  }
0x89: {  	v2 =	vld [tilespmem:s16+$0x20];
	_ =	sdelay $0x4  }
0x8a: {  	v3 =	vand.u32 $0x3FFF, v2  }
0x8b: {  	v2 =	vshra.s32 v2, $0xE;
	[tilespmem:$0x2820] =	vst v3  }
0x8c: {  	[tilespmem:$0x28A0] =	vst v2  }
0x8d: {  	v2 =	vld [tilespmem:s16+$0x30];
	_ =	sdelay $0x4  }
0x8e: {  	v3 =	vand.u32 $0x3FFF, v2  }
0x8f: {  	v2 =	vshra.s32 v2, $0xE;
	[tilespmem:$0x2830] =	vst v3  }
0x90: {  	[tilespmem:$0x28B0] =	vst v2  }
0x91: {  	v2 =	vld [tilespmem:s16+$0x40];
	_ =	sdelay $0x4  }
0x92: {  	v3 =	vand.u32 $0x3FFF, v2  }
0x93: {  	v2 =	vshra.s32 v2, $0xE;
	[tilespmem:$0x2840] =	vst v3  }
0x94: {  	[tilespmem:$0x28C0] =	vst v2  }
0x95: {  	v2 =	vld [tilespmem:s16+$0x50];
	_ =	sdelay $0x4  }
0x96: {  	v3 =	vand.u32 $0x3FFF, v2  }
0x97: {  	v2 =	vshra.s32 v2, $0xE;
	[tilespmem:$0x2850] =	vst v3  }
0x98: {  	[tilespmem:$0x28D0] =	vst v2  }
0x99: {  	v2 =	vld [tilespmem:s16+$0x60];
	_ =	sdelay $0x4  }
0x9a: {  	v3 =	vand.u32 $0x3FFF, v2  }
0x9b: {  	v2 =	vshra.s32 v2, $0xE;
	[tilespmem:$0x2860] =	vst v3  }
0x9c: {  	[tilespmem:$0x28E0] =	vst v2  }
0x9d: {  	v2 =	vld [tilespmem:s16+$0x70];
	_ =	sdelay $0x4  }
0x9e: {  	s21 =	sshll.u32 s15, $0xE;
	v3 =	vand.u32 $0x3FFF, v2  }
0x9f: {  	s16 =	sadd.s32 s21, s12;
	v2 =	vshra.s32 v2, $0xE;
	[tilespmem:$0x2870] =	vst v3  }
0xa0: {  	s16 =	sshrl.u32 s16, $0x3;
	[tilespmem:$0x28F0] =	vst v2  }
0xa1: {  	[tilespmem:s28], [sflag:$0x1] =	stream.indirect.gather [hbm4b:s11+s30], $0x80, s31, s30, $0xb8;
	[tilespmem:$0x1EA78] =	vst v63  }
0xa2: {  	s16 =	sadd.s32 s5, s16  }
0xa3: {  	[tilespmem:s0], [sflag:$0x2] =	stream.linear.gather [hbm4b:s16+s14], $0x4000, $0x38;
	[tilespmem:$0x1EA78] =	vst v63  }
0xa4: {  	_ =	swait.ge [sflag:s1], $0x4000  }
0xa5: {  	[sflag:s1] =	ssyncset.done $0x0  }
0xa6: {  	[sflag:s1] =	ssyncadd.s32 $0xFFFFC000  }
0xa7: {  	_ =	swait.ge [sflag:s4], $0x4000  }
0xa8: {  	[sflag:s4] =	ssyncset.done $0x0  }
0xa9: {  	s16 =	simm.s32 $0x0;
	[sflag:s4] =	ssyncadd.s32 $0xFFFFC000  }
0xaa: {  	v8 =	vld [tilespmem:s16+$0x6900]  }
0xab: {  	v13 =	vld [tilespmem:s16+$0x6910]  }
0xac: {  	v7 =	vld [tilespmem:s16+$0x6920]  }
0xad: {  	v6 =	vld [tilespmem:s16+$0x6930]  }
0xae: {  	v5 =	vld [tilespmem:s16+$0x6940]  }
0xaf: {  	v4 =	vld [tilespmem:s16+$0x6950]  }
0xb0: {  	v3 =	vld [tilespmem:s16+$0x6960]  }
0xb1: {  	v2 =	vld [tilespmem:s16+$0x6970]  }
0xb2: {  	v14 =	vld [tilespmem:s16+$0x2900]  }
0xb3: {  	v15 =	vld [tilespmem:s16+$0x2910]  }
0xb4: {  	v12 =	vld [tilespmem:s16+$0x2920]  }
0xb5: {  	v11 =	vld [tilespmem:s16+$0x2930]  }
0xb6: {  	v10 =	vld [tilespmem:s16+$0x2940]  }
0xb7: {  	v9 =	vld [tilespmem:s16+$0x2950];
	v14 =	vadd.f32 v8, v14  }
0xb8: {  	s17 =	simm.s32 $0x200;
	v13 =	vadd.f32 v13, v15;
	v8 =	vld [tilespmem:s16+$0x2960]  }
.LBB2_5:
0xb9: {  	s21 =	sshra.s32 s17, $0x2;
	p0 =	sne.s32 s17, $0xFE00;
	v14 =	vmax.f32 v14, $0.0e+00;
	v7 =	vadd.f32 v7, v12;
	v12 =	vld [tilespmem:s16+$0x2970]  }
0xba: {  	v15 =	vld [tilespmem:s21+$0x6900];
	[tilespmem:s16+$0x2900] =	vst v14;
	v13 =	vmax.f32 v13, $0.0e+00;
	v6 =	vadd.f32 v6, v11  }
0xbb: {  	v16 =	vld [tilespmem:s21+$0x6910];
	[tilespmem:s16+$0x2910] =	vst v13;
	v11 =	vmax.f32 v7, $0.0e+00;
	v5 =	vadd.f32 v5, v10  }
0xbc: {  	v7 =	vld [tilespmem:s21+$0x6920];
	[tilespmem:s16+$0x2920] =	vst v11;
	v10 =	vmax.f32 v6, $0.0e+00;
	v4 =	vadd.f32 v4, v9  }
0xbd: {  	v6 =	vld [tilespmem:s21+$0x6930];
	[tilespmem:s16+$0x2930] =	vst v10;
	v9 =	vmax.f32 v5, $0.0e+00;
	v3 =	vadd.f32 v3, v8  }
0xbe: {  	v5 =	vld [tilespmem:s21+$0x6940];
	[tilespmem:s16+$0x2940] =	vst v9;
	v8 =	vmax.f32 v4, $0.0e+00;
	v2 =	vadd.f32 v2, v12  }
0xbf: {  	v4 =	vld [tilespmem:s21+$0x6950];
	[tilespmem:s16+$0x2950] =	vst v8;
	v8 =	vmax.f32 v3, $0.0e+00  }
0xc0: {  	v3 =	vld [tilespmem:s21+$0x6960];
	[tilespmem:s16+$0x2960] =	vst v8;
	v8 =	vmax.f32 v2, $0.0e+00  }
0xc1: {  	v2 =	vld [tilespmem:s21+$0x6970];
	[tilespmem:s16+$0x2970] =	vst v8;
	s16 =	smov.u32 s21  }
0xc2: {  	v8 =	vld [tilespmem:s16+$0x2900]  }
0xc3: {  	v13 =	vld [tilespmem:s16+$0x2910]  }
.Ltmp1:
0xc4: {  	v12 =	vld [tilespmem:s16+$0x2920];
	(pc) =	sbr.rel @p0 .LBB2_5-.Ltmp1, $4  }
0xc5: {  	v11 =	vld [tilespmem:s16+$0x2930]  }
0xc6: {  	v10 =	vld [tilespmem:s16+$0x2940]  }
0xc7: {  	v14 =	vadd.f32 v15, v8;
	v9 =	vld [tilespmem:s16+$0x2950]  }
0xc8: {  	s17 =	sadd.s32 $0x200, s17;
	v13 =	vadd.f32 v16, v13;
	v8 =	vld [tilespmem:s16+$0x2960]  }
0xc9: {  	v14 =	vmax.f32 v14, $0.0e+00;
	v7 =	vadd.f32 v7, v12;
	v63 =	vld [tilespmem:s16+$0x2970]  }
0xca: {  	[tilespmem:s16+$0x2900] =	vst v14;
	v13 =	vmax.f32 v13, $0.0e+00;
	v6 =	vadd.f32 v6, v11  }
0xcb: {  	[tilespmem:s16+$0x2910] =	vst v13;
	v7 =	vmax.f32 v7, $0.0e+00;
	v5 =	vadd.f32 v5, v10  }
0xcc: {  	[tilespmem:s16+$0x2920] =	vst v7;
	v6 =	vmax.f32 v6, $0.0e+00;
	v4 =	vadd.f32 v4, v9  }
0xcd: {  	[tilespmem:s16+$0x2930] =	vst v6;
	v5 =	vmax.f32 v5, $0.0e+00;
	v3 =	vadd.f32 v3, v8  }
0xce: {  	[tilespmem:s16+$0x2940] =	vst v5;
	v4 =	vmax.f32 v4, $0.0e+00;
	v2 =	vadd.f32 v2, v63  }
0xcf: {  	[tilespmem:s16+$0x2950] =	vst v4;
	v3 =	vmax.f32 v3, $0.0e+00  }
0xd0: {  	[tilespmem:s16+$0x2960] =	vst v3;
	v2 =	vmax.f32 v2, $0.0e+00  }
0xd1: {  	[tilespmem:s16+$0x2970] =	vst v2  }
0xd2: {  	[spmem:s2] =	stream.indirect.scatter.add.f32 [tilespmem:s28], [sflag:$0x3], $0x80, s6, s30, $0xb8;
	[tilespmem:$0x1EA78] =	vst v63  }
0xd3: {  	s15 =	sadd.s32 $0x1, s15  }
0xd4: {  	[spmem:s3] =	stream.indirect.scatter.add.f32 [tilespmem:s8], [sflag:$0x4], $0x1, s6, s30, $0xb8;
	[tilespmem:$0x1EA78] =	vst v63  }
0xd5: {  	p0 =	sne.s32 s15, s18;
	_ =	swait.ge [sflag:s9], $0x4000  }
.Ltmp2:
0xd6: {  	[sflag:s9] =	ssyncset.done $0x0;
	(pc) =	sbr.rel @p0 .LBB2_4-.Ltmp2, $4  }
0xd7: {  	[sflag:s9] =	ssyncadd.s32 $0xFFFFC000  }
0xd8: {  	_ =	swait.ge [sflag:s10], $0x80  }
0xd9: {  	[sflag:s10] =	ssyncset.done $0x0  }
0xda: {  	[sflag:s10] =	ssyncadd.s32 $0xFFFFFF80  }
0xdb: {  	s14 =	stileid.u32  }
0xdc: {  	[bflag:$0x0] =	sbarrier.arrive $0xFFFF;
	s14 =	sshll.u32 s14, $0x6  }
0xdd: {  	s15 =	sshrl.u32 s7, $0x3;
	s16 =	rddreg [dreg:$0xa];
	s14 =	sor.u32 $0x1C05, s14  }
0xde: {  	[hbm:s16], [sflag:s14] =	dma.local [spmem:s15], $0x800  }
0xdf: {  	_ =	swait.ge [sflag:s26], $0x800  }
0xe0: {  	[sflag:s26] =	ssyncset.done $0x0  }
0xe1: {  	s16 =	rddreg [dreg:$0xb];
	[sflag:s26] =	ssyncadd.s32 $0xFFFFF800  }
0xe2: {  	[hbm:s16], [sflag:s14] =	dma.local [spmem:s23], $0x800  }
0xe3: {  	_ =	swait.ge [sflag:s26], $0x800  }
0xe4: {  	[sflag:s26] =	ssyncset.done $0x0  }
0xe5: {  	s17 =	rddreg [dreg:$0xc];
	[sflag:s26] =	ssyncadd.s32 $0xFFFFF800  }
0xe6: {  	[hbm:s17], [sflag:s14] =	dma.local [spmem:s24], $0x800  }
0xe7: {  	_ =	swait.ge [sflag:s26], $0x800  }
0xe8: {  	[sflag:s26] =	ssyncset.done $0x0  }
0xe9: {  	s21 =	rddreg [dreg:$0xd];
	[sflag:s26] =	ssyncadd.s32 $0xFFFFF800  }
0xea: {  	[hbm:s21], [sflag:s14] =	dma.local [spmem:s25], $0x800  }
0xeb: {  	_ =	swait.ge [sflag:s26], $0x800  }
0xec: {  	[sflag:s26] =	ssyncset.done $0x0  }
0xed: {  	s16 =	sshrl.u32 s19, $0x3;
	s17 =	rddreg [dreg:$0x9];
	[sflag:s26] =	ssyncadd.s32 $0xFFFFF800  }
0xee: {  	[hbm:s17], [sflag:s14] =	dma.local [spmem:s16], $0x780  }
0xef: {  	_ =	swait.ge [sflag:s26], $0x780  }
0xf0: {  	[sflag:s26] =	ssyncset.done $0x0  }
0xf1: {  	[sflag:s26] =	ssyncadd.s32 $0xFFFFF880  }
0xf2: {  	[tilespmem:s29], [sflag:$0x5] =	stream.linear.gather [spmem:s20], $0x278, $0x38;
	[tilespmem:$0x1EA78] =	vst v63  }
0xf3: {  	s13 =	sadd.s32 $0x1, s13;
	_ =	swait.ge [sflag:s26], $0x278  }
0xf4: {  	p0 =	sne.s32 s13, s22;
	s17 =	simm.s32 $0x0;
	[sflag:s26] =	ssyncset.done $0x0  }
.Ltmp3:
0xf5: {  	s21 =	rddreg [dreg:$0xe];
	[sflag:s26] =	ssyncadd.s32 $0xFFFFFD88;
	(pc) =	sbr.rel @p0 .LBB2_1-.Ltmp3, $4  }
0xf6: {  	[hbm4b:s21+s17] =	stream.linear.scatter [tilespmem:s29], [sflag:$0x5], $0x278, $0x38;
	[tilespmem:$0x1EA78] =	vst v63  }
0xf7: {  	_ =	swait.ge [sflag:s26], $0x278  }
0xf8: {  	[sflag:s26] =	ssyncset.done $0x0  }
0xf9: {  	[sflag:s26] =	ssyncadd.s32 $0xFFFFFD88  }
0xfa: {  	_ =	sfence.sel $0x180000  }
0xfb: {  	[bflag:$0x0] =	sbarrier.arrive $0xFFFF  }
0xfc: {  	_ =	strace $0x90000047  }
0xfd: {  	s0 =	stileid.u32;
	[bflag:$0x2] =	sbarrier.arrive $0xFFFF  }
0xfe: {  	p0 =	sne.s32 s0, $0x0;
	s0 =	rddreg [dreg:$0x4]  }
0xff: {  	s0 =	sadd.s32 @!p0 $0x100000, s0  }
0x100: {  	[sflag:s0] =	ssyncadd.tile.s32 @!p0 $0x1;
	_ =	shalt  }
.Lfunc_end2:
_tile_overlayer_lowered:
.L_overlay_start_2:
0x101: {  	(tag) =	ssettag $0x2  }
0x102: {  	s0 =	rddreg [dreg:$0x0];
	s2 =	stileid.u32  }
0x103: {  	s1 =	rddreg [dreg:$0x1];
	p0 =	sne.s32 s2, $0x0  }
0x104: {  	s3 =	rddreg [dreg:$0x2];
	[bflag:$0x3] =	sbarrier.arrive $0xFFFF;
	s2 =	simm.s32 @!p0 $0x1C05  }
0x105: {  	[timem:s3], [sflag:s2] =	dma.local @!p0 [hbm:s0], s1  }
0x106: {  	s0 =	simm.s32 @!p0 $0x5  }
0x107: {  	_ =	swait.ge @!p0 [sflag:s0], s1  }
0x108: {  	s1 =	ssub.s32 @!p0 $0x0, s1;
	[sflag:s0] =	ssyncset.done @!p0 $0x0  }
0x109: {  	[sflag:s0] =	ssyncadd.s32 @!p0 s1  }
0x10a: {  	[bflag:$0x3] =	sbarrier.arrive $0xFFFF  }
0x10b: {  	_ =	shalt  }

</sc_bundles>
